<compile_context>
chip_gen: v7x
topology: tpu7x:2x2x1
jax: 0.10.2.dev20260603
libtpu: 0.0.44.dev20260713+nightly
codegen_flags: <defaults>
</compile_context>

<pallas_src>
import jax
import jax.numpy as jnp
from jax import lax
from jax.experimental import pallas as pl
from jax.experimental.pallas import tpu as pltpu
from jax.experimental.pallas import tpu_sc as plsc

VOCAB_N = 1000
VOCAB_P = 1024
B_TOTAL = 51200
NC, NS, LANES = 2, 16, 16
NW = NC * NS
BPW = B_TOTAL // NW
CHUNK = 32
NCHUNK = BPW // CHUNK
NBUF = 2
POSCH = 128


def _lse_body(table_ref, lse_ref):
    x = table_ref[...]
    m = jnp.max(x, axis=1, keepdims=True)
    s = jnp.sum(jnp.exp(x - m), axis=1, keepdims=True)
    lse_ref[...] = jnp.log(s) + m


def _loss_body(part_ref, loss_ref):
    loss_ref[...] = jnp.sum(part_ref[...]).reshape(1, 1) * (1.0 / B_TOTAL)


def _gather_body(table_hbm, tflat_hbm, lse_hbm, idx_hbm, pos_hbm,
                 out_hbm, part_hbm,
                 idx_v, pos_v, lse_v, tval_v, acc_v, rows_v,
                 sem_t, sem_g0, sem_g1, sem_w0, sem_w1):
    wid = lax.axis_index("s") * NC + lax.axis_index("c")
    base = wid * BPW
    sems_g = (sem_g0, sem_g1)
    sems_w = (sem_w0, sem_w1)

    pltpu.sync_copy(idx_hbm.at[pl.ds(base, BPW)], idx_v)
    pltpu.sync_copy(pos_hbm.at[pl.ds(base, BPW)], pos_v)
    pltpu.sync_copy(lse_hbm, lse_v)

    loss_copies = []
    offs = [(k * POSCH, POSCH) for k in range(BPW // POSCH)]
    if BPW % POSCH:
        offs.append((BPW - BPW % POSCH, BPW % POSCH))
    for off, ln in offs:
        loss_copies.append(pltpu.make_async_copy(
            tflat_hbm.at[pos_v.at[pl.ds(off, ln)]],
            tval_v.at[pl.ds(off, ln)], sem_t))
    for cp in loss_copies:
        cp.start()

    def gather_copy(c, b):
        return pltpu.make_async_copy(
            table_hbm.at[idx_v.at[pl.ds(c * CHUNK, CHUNK)]],
            rows_v.at[b], sems_g[b])

    def write_copy(c, b):
        return pltpu.make_async_copy(
            rows_v.at[b], out_hbm.at[pl.ds(base + c * CHUNK, CHUNK)],
            sems_w[b])

    for b in range(NBUF):
        gather_copy(b, b).start()

    for cp in loss_copies:
        cp.wait()
    acc_v[...] = jnp.zeros((LANES,), jnp.float32)

    gpc = (BPW // LANES) // NCHUNK

    def fold_groups(c):
        for k in range(gpc):
            j = c * gpc + k
            iv = idx_v[pl.ds(j * LANES, LANES)]
            lse_vals = plsc.load_gather(lse_v, [iv])
            acc_v[...] = (acc_v[...]
                          + (lse_vals - tval_v[pl.ds(j * LANES, LANES)]))

    def outer(i, _):
        for b in range(NBUF):
            c = i * NBUF + b
            gather_copy(c, b).wait()
            write_copy(c, b).start()
            fold_groups(c)
            write_copy(c, b).wait()
            gather_copy(c + NBUF, b).start()
        return 0

    lax.fori_loop(0, NCHUNK // NBUF - 1, outer, 0)
    for b in range(NBUF):
        c = NCHUNK - NBUF + b
        gather_copy(c, b).wait()
        write_copy(c, b).start()
        fold_groups(c)
        write_copy(c, b).wait()

    pltpu.sync_copy(acc_v, part_hbm.at[wid])


def kernel(idx, targets, table):
    idx_f = idx.reshape(B_TOTAL).astype(jnp.int32)
    tgt_f = targets.reshape(B_TOTAL).astype(jnp.int32)
    pos_f = idx_f * VOCAB_N + tgt_f
    table_pad = jnp.pad(table, ((0, 0), (0, VOCAB_P - VOCAB_N)))
    table_flat = table.reshape(VOCAB_N * VOCAB_N)

    lse = pl.pallas_call(
        _lse_body,
        out_shape=jax.ShapeDtypeStruct((VOCAB_N, 1), jnp.float32),
    )(table).reshape(VOCAB_N)

    mesh = plsc.VectorSubcoreMesh(
        core_axis_name="c", subcore_axis_name="s",
        num_cores=NC, num_subcores=NS,
    )
    logits_pad, partials = pl.kernel(
        _gather_body,
        out_type=(
            jax.ShapeDtypeStruct((B_TOTAL, VOCAB_P), jnp.float32),
            jax.ShapeDtypeStruct((NW, LANES), jnp.float32),
        ),
        mesh=mesh,
        compiler_params=pltpu.CompilerParams(
            needs_layout_passes=False, use_tc_tiling_on_sc=True
        ),
        scratch_types=(
            pltpu.VMEM((BPW,), jnp.int32),
            pltpu.VMEM((BPW,), jnp.int32),
            pltpu.VMEM((VOCAB_N,), jnp.float32),
            pltpu.VMEM((BPW,), jnp.float32),
            pltpu.VMEM((LANES,), jnp.float32),
            pltpu.VMEM((NBUF, CHUNK, VOCAB_P), jnp.float32),
            pltpu.SemaphoreType.DMA,
            pltpu.SemaphoreType.DMA,
            pltpu.SemaphoreType.DMA,
            pltpu.SemaphoreType.DMA,
            pltpu.SemaphoreType.DMA,
        ),
    )(table_pad, table_flat, lse, idx_f, pos_f)

    logits = lax.slice(logits_pad, (0, 0), (B_TOTAL, VOCAB_N))

    loss = pl.pallas_call(
        _loss_body,
        out_shape=jax.ShapeDtypeStruct((1, 1), jnp.float32),
    )(partials).reshape(())

    return (logits, loss)

# --- scband reference (transcript-rebuilt; emitter-appended) ---
"""Pipeline reference for scband-bigram-language-model-28613072126201 (READ-ONLY COPY).

The authoritative reference and input builder live on the scoring server;
editing this copy changes nothing except your own understanding.
"""

import jax, jax.numpy as jnp
import numpy as np

VOCAB = 1000

def setup_inputs(seed: int = 0) -> dict:
    key = jax.random.key(seed)
    k1, k2, k3 = jax.random.split(key, 3)
    idx = jax.random.randint(k1, (1024, 50), 0, VOCAB, dtype=jnp.int64 if jax.config.jax_enable_x64 else jnp.int32)
    targets = jax.random.randint(k2, (1024, 50), 0, VOCAB, dtype=jnp.int64 if jax.config.jax_enable_x64 else jnp.int32)
    table = jax.random.normal(k3, (VOCAB, VOCAB), dtype=jnp.float32)
    return {"idx": idx, "targets": targets, "table": table}

def reference(idx, targets, table):
    # logits = token_embedding_table(idx): gather rows -> [b, t, c]
    logits = jnp.take(table, idx, axis=0)
    b, t, c = logits.shape
    # rearrange 'b t c -> (b t) c' and 'b t -> (b t)'
    logits_flat = logits.reshape(b * t, c)
    targets_flat = targets.reshape(b * t)
    # F.cross_entropy = mean over examples of -log_softmax(logits)[target]
    log_probs = jax.nn.log_softmax(logits_flat, axis=-1)
    nll = -jnp.take_along_axis(log_probs, targets_flat[:, None], axis=1)[:, 0]
    loss = jnp.mean(nll)
    return (logits_flat, loss)

if __name__ == "__main__":
    import jax
    _d = setup_inputs()
    print(jax.jit(kernel)(*tuple(_d.values())))

</pallas_src>

<mosaic_0001>
#map = affine_map<(d0, d1) -> (0, 0)>
#map1 = affine_map<(d0, d1) -> (0)>
module attributes {stable_mosaic.version = 14 : i64} {
  func.func @_gather_body(%arg0: i32, %arg1: i32, %arg2: memref<1000x1024xf32, #tpu.memory_space<hbm>>, %arg3: memref<1000000xf32, #tpu.memory_space<hbm>>, %arg4: memref<1000xf32, #tpu.memory_space<hbm>>, %arg5: memref<51200xi32, #tpu.memory_space<hbm>>, %arg6: memref<51200xi32, #tpu.memory_space<hbm>>, %arg7: memref<51200x1024xf32, #tpu.memory_space<hbm>>, %arg8: memref<32x16xf32, #tpu.memory_space<hbm>>, %arg9: memref<1600xi32, #tpu.memory_space<vmem>>, %arg10: memref<1600xi32, #tpu.memory_space<vmem>>, %arg11: memref<1000xf32, #tpu.memory_space<vmem>>, %arg12: memref<1600xf32, #tpu.memory_space<vmem>>, %arg13: memref<16xf32, #tpu.memory_space<vmem>>, %arg14: memref<2x32x1024xf32, #tpu.memory_space<vmem>>, %arg15: memref<!tpu.dma_semaphore, #tpu.memory_space<semaphore_mem>>, %arg16: memref<!tpu.dma_semaphore, #tpu.memory_space<semaphore_mem>>, %arg17: memref<!tpu.dma_semaphore, #tpu.memory_space<semaphore_mem>>, %arg18: memref<!tpu.dma_semaphore, #tpu.memory_space<semaphore_mem>>, %arg19: memref<!tpu.dma_semaphore, #tpu.memory_space<semaphore_mem>>) attributes {dimension_semantics = [#tpu.dimension_semantics<core_parallel>, #tpu.dimension_semantics<subcore_parallel>], iteration_bounds = array<i64: 2, 16>, scalar_prefetch = 0 : i64, scratch_operands = 11 : i64, tpu.core_type = #tpu.core_type<sc_vector_subcore>, window_params = [{transform_indices = #map}, {transform_indices = #map1}, {transform_indices = #map1}, {transform_indices = #map1}, {transform_indices = #map1}, {transform_indices = #map}, {transform_indices = #map}]} {
    %mul3A = arith.constant 2 : i32
    %mul3A_0 = arith.muli %arg1, %mul3A : i32
    %add3A = arith.addi %mul3A_0, %arg0 : i32
    %mul3A_1 = arith.constant 1600 : i32
    %mul3A_2 = arith.muli %add3A, %mul3A_1 : i32
    "tpu.region"() ({
      %run_scoped3A = tpu.sem_alloc : memref<!tpu.dma_semaphore, #tpu.memory_space<semaphore_mem>>
      %dma_start3A_306 = tpu.memref_slice %arg5[%mul3A_2] : memref<51200xi32, #tpu.memory_space<hbm>> -> memref<1600xi32, #tpu.memory_space<hbm>>
      %dma_start3A_307 = tpu.memref_slice %arg5[%mul3A_2] : memref<51200xi32, #tpu.memory_space<hbm>> -> memref<1600xi32, #tpu.memory_space<hbm>>
      tpu.enqueue_dma source(%dma_start3A_307 : memref<1600xi32, #tpu.memory_space<hbm>>) target(%arg9 : memref<1600xi32, #tpu.memory_space<vmem>>) target_semaphore(%run_scoped3A : memref<!tpu.dma_semaphore, #tpu.memory_space<semaphore_mem>>)
      %dma_wait3A_308 = tpu.memref_slice %arg5[%mul3A_2] : memref<51200xi32, #tpu.memory_space<hbm>> -> memref<1600xi32, #tpu.memory_space<hbm>>
      %dma_wait3A_309 = tpu.memref_slice %arg5[%mul3A_2] : memref<51200xi32, #tpu.memory_space<hbm>> -> memref<1600xi32, #tpu.memory_space<hbm>>
      tpu.wait_dma2 semaphore(%run_scoped3A : memref<!tpu.dma_semaphore, #tpu.memory_space<semaphore_mem>>) src(%dma_wait3A_309 : memref<1600xi32, #tpu.memory_space<hbm>>) dst(%arg9 : memref<1600xi32, #tpu.memory_space<vmem>>)
      tpu.yield
    }) : () -> ()
    "tpu.region"() ({
      %run_scoped3A = tpu.sem_alloc : memref<!tpu.dma_semaphore, #tpu.memory_space<semaphore_mem>>
      %dma_start3A_306 = tpu.memref_slice %arg6[%mul3A_2] : memref<51200xi32, #tpu.memory_space<hbm>> -> memref<1600xi32, #tpu.memory_space<hbm>>
      %dma_start3A_307 = tpu.memref_slice %arg6[%mul3A_2] : memref<51200xi32, #tpu.memory_space<hbm>> -> memref<1600xi32, #tpu.memory_space<hbm>>
      tpu.enqueue_dma source(%dma_start3A_307 : memref<1600xi32, #tpu.memory_space<hbm>>) target(%arg10 : memref<1600xi32, #tpu.memory_space<vmem>>) target_semaphore(%run_scoped3A : memref<!tpu.dma_semaphore, #tpu.memory_space<semaphore_mem>>)
      %dma_wait3A_308 = tpu.memref_slice %arg6[%mul3A_2] : memref<51200xi32, #tpu.memory_space<hbm>> -> memref<1600xi32, #tpu.memory_space<hbm>>
      %dma_wait3A_309 = tpu.memref_slice %arg6[%mul3A_2] : memref<51200xi32, #tpu.memory_space<hbm>> -> memref<1600xi32, #tpu.memory_space<hbm>>
      tpu.wait_dma2 semaphore(%run_scoped3A : memref<!tpu.dma_semaphore, #tpu.memory_space<semaphore_mem>>) src(%dma_wait3A_309 : memref<1600xi32, #tpu.memory_space<hbm>>) dst(%arg10 : memref<1600xi32, #tpu.memory_space<vmem>>)
      tpu.yield
    }) : () -> ()
    "tpu.region"() ({
      %run_scoped3A = tpu.sem_alloc : memref<!tpu.dma_semaphore, #tpu.memory_space<semaphore_mem>>
      tpu.enqueue_dma source(%arg4 : memref<1000xf32, #tpu.memory_space<hbm>>) target(%arg11 : memref<1000xf32, #tpu.memory_space<vmem>>) target_semaphore(%run_scoped3A : memref<!tpu.dma_semaphore, #tpu.memory_space<semaphore_mem>>)
      tpu.wait_dma2 semaphore(%run_scoped3A : memref<!tpu.dma_semaphore, #tpu.memory_space<semaphore_mem>>) src(%arg4 : memref<1000xf32, #tpu.memory_space<hbm>>) dst(%arg11 : memref<1000xf32, #tpu.memory_space<vmem>>)
      tpu.yield
    }) : () -> ()
    %dma_start3A = arith.constant 0 : i32
    %dma_start3A_3 = tpu.memref_slice %arg12[%dma_start3A] : memref<1600xf32, #tpu.memory_space<vmem>> -> memref<128xf32, #tpu.memory_space<vmem>>
    %dma_start3A_4 = arith.constant 0 : i32
    %dma_start3A_5 = tpu.memref_slice %arg10[%dma_start3A_4] : memref<1600xi32, #tpu.memory_space<vmem>> -> memref<128xi32, #tpu.memory_space<vmem>>
    %dma_start3A_6 = arith.constant 0 : i32
    %dma_start3A_7 = tpu.memref_slice %arg3[%dma_start3A_6] : memref<1000000xf32, #tpu.memory_space<hbm>> -> memref<1000000xf32, #tpu.memory_space<hbm>>
    tpu.enqueue_indirect_dma source(%dma_start3A_7 : memref<1000000xf32, #tpu.memory_space<hbm>>) target(%dma_start3A_3 : memref<128xf32, #tpu.memory_space<vmem>>) offsets(%dma_start3A_5 : memref<128xi32, #tpu.memory_space<vmem>>) semaphore(%arg15 : memref<!tpu.dma_semaphore, #tpu.memory_space<semaphore_mem>>)
    %dma_start3A_8 = arith.constant 128 : i32
    %dma_start3A_9 = tpu.memref_slice %arg12[%dma_start3A_8] : memref<1600xf32, #tpu.memory_space<vmem>> -> memref<128xf32, #tpu.memory_space<vmem>>
    %dma_start3A_10 = arith.constant 128 : i32
    %dma_start3A_11 = tpu.memref_slice %arg10[%dma_start3A_10] : memref<1600xi32, #tpu.memory_space<vmem>> -> memref<128xi32, #tpu.memory_space<vmem>>
    %dma_start3A_12 = arith.constant 0 : i32
    %dma_start3A_13 = tpu.memref_slice %arg3[%dma_start3A_12] : memref<1000000xf32, #tpu.memory_space<hbm>> -> memref<1000000xf32, #tpu.memory_space<hbm>>
    tpu.enqueue_indirect_dma source(%dma_start3A_13 : memref<1000000xf32, #tpu.memory_space<hbm>>) target(%dma_start3A_9 : memref<128xf32, #tpu.memory_space<vmem>>) offsets(%dma_start3A_11 : memref<128xi32, #tpu.memory_space<vmem>>) semaphore(%arg15 : memref<!tpu.dma_semaphore, #tpu.memory_space<semaphore_mem>>)
    %dma_start3A_14 = arith.constant 256 : i32
    %dma_start3A_15 = tpu.memref_slice %arg12[%dma_start3A_14] : memref<1600xf32, #tpu.memory_space<vmem>> -> memref<128xf32, #tpu.memory_space<vmem>>
    %dma_start3A_16 = arith.constant 256 : i32
    %dma_start3A_17 = tpu.memref_slice %arg10[%dma_start3A_16] : memref<1600xi32, #tpu.memory_space<vmem>> -> memref<128xi32, #tpu.memory_space<vmem>>
    %dma_start3A_18 = arith.constant 0 : i32
    %dma_start3A_19 = tpu.memref_slice %arg3[%dma_start3A_18] : memref<1000000xf32, #tpu.memory_space<hbm>> -> memref<1000000xf32, #tpu.memory_space<hbm>>
    tpu.enqueue_indirect_dma source(%dma_start3A_19 : memref<1000000xf32, #tpu.memory_space<hbm>>) target(%dma_start3A_15 : memref<128xf32, #tpu.memory_space<vmem>>) offsets(%dma_start3A_17 : memref<128xi32, #tpu.memory_space<vmem>>) semaphore(%arg15 : memref<!tpu.dma_semaphore, #tpu.memory_space<semaphore_mem>>)
    %dma_start3A_20 = arith.constant 384 : i32
    %dma_start3A_21 = tpu.memref_slice %arg12[%dma_start3A_20] : memref<1600xf32, #tpu.memory_space<vmem>> -> memref<128xf32, #tpu.memory_space<vmem>>
    %dma_start3A_22 = arith.constant 384 : i32
    %dma_start3A_23 = tpu.memref_slice %arg10[%dma_start3A_22] : memref<1600xi32, #tpu.memory_space<vmem>> -> memref<128xi32, #tpu.memory_space<vmem>>
    %dma_start3A_24 = arith.constant 0 : i32
    %dma_start3A_25 = tpu.memref_slice %arg3[%dma_start3A_24] : memref<1000000xf32, #tpu.memory_space<hbm>> -> memref<1000000xf32, #tpu.memory_space<hbm>>
    tpu.enqueue_indirect_dma source(%dma_start3A_25 : memref<1000000xf32, #tpu.memory_space<hbm>>) target(%dma_start3A_21 : memref<128xf32, #tpu.memory_space<vmem>>) offsets(%dma_start3A_23 : memref<128xi32, #tpu.memory_space<vmem>>) semaphore(%arg15 : memref<!tpu.dma_semaphore, #tpu.memory_space<semaphore_mem>>)
    %dma_start3A_26 = arith.constant 512 : i32
    %dma_start3A_27 = tpu.memref_slice %arg12[%dma_start3A_26] : memref<1600xf32, #tpu.memory_space<vmem>> -> memref<128xf32, #tpu.memory_space<vmem>>
    %dma_start3A_28 = arith.constant 512 : i32
    %dma_start3A_29 = tpu.memref_slice %arg10[%dma_start3A_28] : memref<1600xi32, #tpu.memory_space<vmem>> -> memref<128xi32, #tpu.memory_space<vmem>>
    %dma_start3A_30 = arith.constant 0 : i32
    %dma_start3A_31 = tpu.memref_slice %arg3[%dma_start3A_30] : memref<1000000xf32, #tpu.memory_space<hbm>> -> memref<1000000xf32, #tpu.memory_space<hbm>>
    tpu.enqueue_indirect_dma source(%dma_start3A_31 : memref<1000000xf32, #tpu.memory_space<hbm>>) target(%dma_start3A_27 : memref<128xf32, #tpu.memory_space<vmem>>) offsets(%dma_start3A_29 : memref<128xi32, #tpu.memory_space<vmem>>) semaphore(%arg15 : memref<!tpu.dma_semaphore, #tpu.memory_space<semaphore_mem>>)
    %dma_start3A_32 = arith.constant 640 : i32
    %dma_start3A_33 = tpu.memref_slice %arg12[%dma_start3A_32] : memref<1600xf32, #tpu.memory_space<vmem>> -> memref<128xf32, #tpu.memory_space<vmem>>
    %dma_start3A_34 = arith.constant 640 : i32
    %dma_start3A_35 = tpu.memref_slice %arg10[%dma_start3A_34] : memref<1600xi32, #tpu.memory_space<vmem>> -> memref<128xi32, #tpu.memory_space<vmem>>
    %dma_start3A_36 = arith.constant 0 : i32
    %dma_start3A_37 = tpu.memref_slice %arg3[%dma_start3A_36] : memref<1000000xf32, #tpu.memory_space<hbm>> -> memref<1000000xf32, #tpu.memory_space<hbm>>
    tpu.enqueue_indirect_dma source(%dma_start3A_37 : memref<1000000xf32, #tpu.memory_space<hbm>>) target(%dma_start3A_33 : memref<128xf32, #tpu.memory_space<vmem>>) offsets(%dma_start3A_35 : memref<128xi32, #tpu.memory_space<vmem>>) semaphore(%arg15 : memref<!tpu.dma_semaphore, #tpu.memory_space<semaphore_mem>>)
    %dma_start3A_38 = arith.constant 768 : i32
    %dma_start3A_39 = tpu.memref_slice %arg12[%dma_start3A_38] : memref<1600xf32, #tpu.memory_space<vmem>> -> memref<128xf32, #tpu.memory_space<vmem>>
    %dma_start3A_40 = arith.constant 768 : i32
    %dma_start3A_41 = tpu.memref_slice %arg10[%dma_start3A_40] : memref<1600xi32, #tpu.memory_space<vmem>> -> memref<128xi32, #tpu.memory_space<vmem>>
    %dma_start3A_42 = arith.constant 0 : i32
    %dma_start3A_43 = tpu.memref_slice %arg3[%dma_start3A_42] : memref<1000000xf32, #tpu.memory_space<hbm>> -> memref<1000000xf32, #tpu.memory_space<hbm>>
    tpu.enqueue_indirect_dma source(%dma_start3A_43 : memref<1000000xf32, #tpu.memory_space<hbm>>) target(%dma_start3A_39 : memref<128xf32, #tpu.memory_space<vmem>>) offsets(%dma_start3A_41 : memref<128xi32, #tpu.memory_space<vmem>>) semaphore(%arg15 : memref<!tpu.dma_semaphore, #tpu.memory_space<semaphore_mem>>)
    %dma_start3A_44 = arith.constant 896 : i32
    %dma_start3A_45 = tpu.memref_slice %arg12[%dma_start3A_44] : memref<1600xf32, #tpu.memory_space<vmem>> -> memref<128xf32, #tpu.memory_space<vmem>>
    %dma_start3A_46 = arith.constant 896 : i32
    %dma_start3A_47 = tpu.memref_slice %arg10[%dma_start3A_46] : memref<1600xi32, #tpu.memory_space<vmem>> -> memref<128xi32, #tpu.memory_space<vmem>>
    %dma_start3A_48 = arith.constant 0 : i32
    %dma_start3A_49 = tpu.memref_slice %arg3[%dma_start3A_48] : memref<1000000xf32, #tpu.memory_space<hbm>> -> memref<1000000xf32, #tpu.memory_space<hbm>>
    tpu.enqueue_indirect_dma source(%dma_start3A_49 : memref<1000000xf32, #tpu.memory_space<hbm>>) target(%dma_start3A_45 : memref<128xf32, #tpu.memory_space<vmem>>) offsets(%dma_start3A_47 : memref<128xi32, #tpu.memory_space<vmem>>) semaphore(%arg15 : memref<!tpu.dma_semaphore, #tpu.memory_space<semaphore_mem>>)
    %dma_start3A_50 = arith.constant 1024 : i32
    %dma_start3A_51 = tpu.memref_slice %arg12[%dma_start3A_50] : memref<1600xf32, #tpu.memory_space<vmem>> -> memref<128xf32, #tpu.memory_space<vmem>>
    %dma_start3A_52 = arith.constant 1024 : i32
    %dma_start3A_53 = tpu.memref_slice %arg10[%dma_start3A_52] : memref<1600xi32, #tpu.memory_space<vmem>> -> memref<128xi32, #tpu.memory_space<vmem>>
    %dma_start3A_54 = arith.constant 0 : i32
    %dma_start3A_55 = tpu.memref_slice %arg3[%dma_start3A_54] : memref<1000000xf32, #tpu.memory_space<hbm>> -> memref<1000000xf32, #tpu.memory_space<hbm>>
    tpu.enqueue_indirect_dma source(%dma_start3A_55 : memref<1000000xf32, #tpu.memory_space<hbm>>) target(%dma_start3A_51 : memref<128xf32, #tpu.memory_space<vmem>>) offsets(%dma_start3A_53 : memref<128xi32, #tpu.memory_space<vmem>>) semaphore(%arg15 : memref<!tpu.dma_semaphore, #tpu.memory_space<semaphore_mem>>)
    %dma_start3A_56 = arith.constant 1152 : i32
    %dma_start3A_57 = tpu.memref_slice %arg12[%dma_start3A_56] : memref<1600xf32, #tpu.memory_space<vmem>> -> memref<128xf32, #tpu.memory_space<vmem>>
    %dma_start3A_58 = arith.constant 1152 : i32
    %dma_start3A_59 = tpu.memref_slice %arg10[%dma_start3A_58] : memref<1600xi32, #tpu.memory_space<vmem>> -> memref<128xi32, #tpu.memory_space<vmem>>
    %dma_start3A_60 = arith.constant 0 : i32
    %dma_start3A_61 = tpu.memref_slice %arg3[%dma_start3A_60] : memref<1000000xf32, #tpu.memory_space<hbm>> -> memref<1000000xf32, #tpu.memory_space<hbm>>
    tpu.enqueue_indirect_dma source(%dma_start3A_61 : memref<1000000xf32, #tpu.memory_space<hbm>>) target(%dma_start3A_57 : memref<128xf32, #tpu.memory_space<vmem>>) offsets(%dma_start3A_59 : memref<128xi32, #tpu.memory_space<vmem>>) semaphore(%arg15 : memref<!tpu.dma_semaphore, #tpu.memory_space<semaphore_mem>>)
    %dma_start3A_62 = arith.constant 1280 : i32
    %dma_start3A_63 = tpu.memref_slice %arg12[%dma_start3A_62] : memref<1600xf32, #tpu.memory_space<vmem>> -> memref<128xf32, #tpu.memory_space<vmem>>
    %dma_start3A_64 = arith.constant 1280 : i32
    %dma_start3A_65 = tpu.memref_slice %arg10[%dma_start3A_64] : memref<1600xi32, #tpu.memory_space<vmem>> -> memref<128xi32, #tpu.memory_space<vmem>>
    %dma_start3A_66 = arith.constant 0 : i32
    %dma_start3A_67 = tpu.memref_slice %arg3[%dma_start3A_66] : memref<1000000xf32, #tpu.memory_space<hbm>> -> memref<1000000xf32, #tpu.memory_space<hbm>>
    tpu.enqueue_indirect_dma source(%dma_start3A_67 : memref<1000000xf32, #tpu.memory_space<hbm>>) target(%dma_start3A_63 : memref<128xf32, #tpu.memory_space<vmem>>) offsets(%dma_start3A_65 : memref<128xi32, #tpu.memory_space<vmem>>) semaphore(%arg15 : memref<!tpu.dma_semaphore, #tpu.memory_space<semaphore_mem>>)
    %dma_start3A_68 = arith.constant 1408 : i32
    %dma_start3A_69 = tpu.memref_slice %arg12[%dma_start3A_68] : memref<1600xf32, #tpu.memory_space<vmem>> -> memref<128xf32, #tpu.memory_space<vmem>>
    %dma_start3A_70 = arith.constant 1408 : i32
    %dma_start3A_71 = tpu.memref_slice %arg10[%dma_start3A_70] : memref<1600xi32, #tpu.memory_space<vmem>> -> memref<128xi32, #tpu.memory_space<vmem>>
    %dma_start3A_72 = arith.constant 0 : i32
    %dma_start3A_73 = tpu.memref_slice %arg3[%dma_start3A_72] : memref<1000000xf32, #tpu.memory_space<hbm>> -> memref<1000000xf32, #tpu.memory_space<hbm>>
    tpu.enqueue_indirect_dma source(%dma_start3A_73 : memref<1000000xf32, #tpu.memory_space<hbm>>) target(%dma_start3A_69 : memref<128xf32, #tpu.memory_space<vmem>>) offsets(%dma_start3A_71 : memref<128xi32, #tpu.memory_space<vmem>>) semaphore(%arg15 : memref<!tpu.dma_semaphore, #tpu.memory_space<semaphore_mem>>)
    %dma_start3A_74 = arith.constant 1536 : i32
    %dma_start3A_75 = tpu.memref_slice %arg12[%dma_start3A_74] : memref<1600xf32, #tpu.memory_space<vmem>> -> memref<64xf32, #tpu.memory_space<vmem>>
    %dma_start3A_76 = arith.constant 1536 : i32
    %dma_start3A_77 = tpu.memref_slice %arg10[%dma_start3A_76] : memref<1600xi32, #tpu.memory_space<vmem>> -> memref<64xi32, #tpu.memory_space<vmem>>
    %dma_start3A_78 = arith.constant 0 : i32
    %dma_start3A_79 = tpu.memref_slice %arg3[%dma_start3A_78] : memref<1000000xf32, #tpu.memory_space<hbm>> -> memref<1000000xf32, #tpu.memory_space<hbm>>
    tpu.enqueue_indirect_dma source(%dma_start3A_79 : memref<1000000xf32, #tpu.memory_space<hbm>>) target(%dma_start3A_75 : memref<64xf32, #tpu.memory_space<vmem>>) offsets(%dma_start3A_77 : memref<64xi32, #tpu.memory_space<vmem>>) semaphore(%arg15 : memref<!tpu.dma_semaphore, #tpu.memory_space<semaphore_mem>>)
    %dma_start3A_80 = arith.constant 0 : i32
    %dma_start3A_81 = arith.constant 0 : i32
    %dma_start3A_82 = arith.constant 0 : i32
    %dma_start3A_83 = tpu.memref_slice %arg14[%dma_start3A_80, %dma_start3A_81, %dma_start3A_82] : memref<2x32x1024xf32, #tpu.memory_space<vmem>> -> memref<1x32x1024xf32, #tpu.memory_space<vmem>>
    %dma_start3A_84 = tpu.memref_squeeze %dma_start3A_83 : memref<1x32x1024xf32, #tpu.memory_space<vmem>> -> memref<32x1024xf32, #tpu.memory_space<vmem>>
    %dma_start3A_85 = arith.constant 0 : i32
    %dma_start3A_86 = tpu.memref_slice %arg9[%dma_start3A_85] : memref<1600xi32, #tpu.memory_space<vmem>> -> memref<32xi32, #tpu.memory_space<vmem>>
    %dma_start3A_87 = arith.constant 0 : i32
    %dma_start3A_88 = arith.constant 0 : i32
    %dma_start3A_89 = tpu.memref_slice %arg2[%dma_start3A_87, %dma_start3A_88] : memref<1000x1024xf32, #tpu.memory_space<hbm>> -> memref<1000x1024xf32, #tpu.memory_space<hbm>>
    tpu.enqueue_indirect_dma source(%dma_start3A_89 : memref<1000x1024xf32, #tpu.memory_space<hbm>>) target(%dma_start3A_84 : memref<32x1024xf32, #tpu.memory_space<vmem>>) offsets(%dma_start3A_86 : memref<32xi32, #tpu.memory_space<vmem>>) semaphore(%arg16 : memref<!tpu.dma_semaphore, #tpu.memory_space<semaphore_mem>>)
    %dma_start3A_90 = arith.constant 1 : i32
    %dma_start3A_91 = arith.constant 0 : i32
    %dma_start3A_92 = arith.constant 0 : i32
    %dma_start3A_93 = tpu.memref_slice %arg14[%dma_start3A_90, %dma_start3A_91, %dma_start3A_92] : memref<2x32x1024xf32, #tpu.memory_space<vmem>> -> memref<1x32x1024xf32, #tpu.memory_space<vmem>>
    %dma_start3A_94 = tpu.memref_squeeze %dma_start3A_93 : memref<1x32x1024xf32, #tpu.memory_space<vmem>> -> memref<32x1024xf32, #tpu.memory_space<vmem>>
    %dma_start3A_95 = arith.constant 32 : i32
    %dma_start3A_96 = tpu.memref_slice %arg9[%dma_start3A_95] : memref<1600xi32, #tpu.memory_space<vmem>> -> memref<32xi32, #tpu.memory_space<vmem>>
    %dma_start3A_97 = arith.constant 0 : i32
    %dma_start3A_98 = arith.constant 0 : i32
    %dma_start3A_99 = tpu.memref_slice %arg2[%dma_start3A_97, %dma_start3A_98] : memref<1000x1024xf32, #tpu.memory_space<hbm>> -> memref<1000x1024xf32, #tpu.memory_space<hbm>>
    tpu.enqueue_indirect_dma source(%dma_start3A_99 : memref<1000x1024xf32, #tpu.memory_space<hbm>>) target(%dma_start3A_94 : memref<32x1024xf32, #tpu.memory_space<vmem>>) offsets(%dma_start3A_96 : memref<32xi32, #tpu.memory_space<vmem>>) semaphore(%arg17 : memref<!tpu.dma_semaphore, #tpu.memory_space<semaphore_mem>>)
    %dma_wait3A = arith.constant 0 : i32
    %dma_wait3A_100 = tpu.memref_slice %arg12[%dma_wait3A] : memref<1600xf32, #tpu.memory_space<vmem>> -> memref<128xf32, #tpu.memory_space<vmem>>
    %dma_wait3A_101 = arith.constant 0 : i32
    %dma_wait3A_102 = tpu.memref_slice %arg10[%dma_wait3A_101] : memref<1600xi32, #tpu.memory_space<vmem>> -> memref<128xi32, #tpu.memory_space<vmem>>
    %dma_wait3A_103 = arith.constant 0 : i32
    %dma_wait3A_104 = tpu.memref_slice %arg3[%dma_wait3A_103] : memref<1000000xf32, #tpu.memory_space<hbm>> -> memref<1000000xf32, #tpu.memory_space<hbm>>
    tpu.wait_indirect_dma semaphore(%arg15 : memref<!tpu.dma_semaphore, #tpu.memory_space<semaphore_mem>>) src(%dma_wait3A_104 : memref<1000000xf32, #tpu.memory_space<hbm>>) dst(%dma_wait3A_100 : memref<128xf32, #tpu.memory_space<vmem>>)
    %dma_wait3A_105 = arith.constant 128 : i32
    %dma_wait3A_106 = tpu.memref_slice %arg12[%dma_wait3A_105] : memref<1600xf32, #tpu.memory_space<vmem>> -> memref<128xf32, #tpu.memory_space<vmem>>
    %dma_wait3A_107 = arith.constant 128 : i32
    %dma_wait3A_108 = tpu.memref_slice %arg10[%dma_wait3A_107] : memref<1600xi32, #tpu.memory_space<vmem>> -> memref<128xi32, #tpu.memory_space<vmem>>
    %dma_wait3A_109 = arith.constant 0 : i32
    %dma_wait3A_110 = tpu.memref_slice %arg3[%dma_wait3A_109] : memref<1000000xf32, #tpu.memory_space<hbm>> -> memref<1000000xf32, #tpu.memory_space<hbm>>
    tpu.wait_indirect_dma semaphore(%arg15 : memref<!tpu.dma_semaphore, #tpu.memory_space<semaphore_mem>>) src(%dma_wait3A_110 : memref<1000000xf32, #tpu.memory_space<hbm>>) dst(%dma_wait3A_106 : memref<128xf32, #tpu.memory_space<vmem>>)
    %dma_wait3A_111 = arith.constant 256 : i32
    %dma_wait3A_112 = tpu.memref_slice %arg12[%dma_wait3A_111] : memref<1600xf32, #tpu.memory_space<vmem>> -> memref<128xf32, #tpu.memory_space<vmem>>
    %dma_wait3A_113 = arith.constant 256 : i32
    %dma_wait3A_114 = tpu.memref_slice %arg10[%dma_wait3A_113] : memref<1600xi32, #tpu.memory_space<vmem>> -> memref<128xi32, #tpu.memory_space<vmem>>
    %dma_wait3A_115 = arith.constant 0 : i32
    %dma_wait3A_116 = tpu.memref_slice %arg3[%dma_wait3A_115] : memref<1000000xf32, #tpu.memory_space<hbm>> -> memref<1000000xf32, #tpu.memory_space<hbm>>
    tpu.wait_indirect_dma semaphore(%arg15 : memref<!tpu.dma_semaphore, #tpu.memory_space<semaphore_mem>>) src(%dma_wait3A_116 : memref<1000000xf32, #tpu.memory_space<hbm>>) dst(%dma_wait3A_112 : memref<128xf32, #tpu.memory_space<vmem>>)
    %dma_wait3A_117 = arith.constant 384 : i32
    %dma_wait3A_118 = tpu.memref_slice %arg12[%dma_wait3A_117] : memref<1600xf32, #tpu.memory_space<vmem>> -> memref<128xf32, #tpu.memory_space<vmem>>
    %dma_wait3A_119 = arith.constant 384 : i32
    %dma_wait3A_120 = tpu.memref_slice %arg10[%dma_wait3A_119] : memref<1600xi32, #tpu.memory_space<vmem>> -> memref<128xi32, #tpu.memory_space<vmem>>
    %dma_wait3A_121 = arith.constant 0 : i32
    %dma_wait3A_122 = tpu.memref_slice %arg3[%dma_wait3A_121] : memref<1000000xf32, #tpu.memory_space<hbm>> -> memref<1000000xf32, #tpu.memory_space<hbm>>
    tpu.wait_indirect_dma semaphore(%arg15 : memref<!tpu.dma_semaphore, #tpu.memory_space<semaphore_mem>>) src(%dma_wait3A_122 : memref<1000000xf32, #tpu.memory_space<hbm>>) dst(%dma_wait3A_118 : memref<128xf32, #tpu.memory_space<vmem>>)
    %dma_wait3A_123 = arith.constant 512 : i32
    %dma_wait3A_124 = tpu.memref_slice %arg12[%dma_wait3A_123] : memref<1600xf32, #tpu.memory_space<vmem>> -> memref<128xf32, #tpu.memory_space<vmem>>
    %dma_wait3A_125 = arith.constant 512 : i32
    %dma_wait3A_126 = tpu.memref_slice %arg10[%dma_wait3A_125] : memref<1600xi32, #tpu.memory_space<vmem>> -> memref<128xi32, #tpu.memory_space<vmem>>
    %dma_wait3A_127 = arith.constant 0 : i32
    %dma_wait3A_128 = tpu.memref_slice %arg3[%dma_wait3A_127] : memref<1000000xf32, #tpu.memory_space<hbm>> -> memref<1000000xf32, #tpu.memory_space<hbm>>
    tpu.wait_indirect_dma semaphore(%arg15 : memref<!tpu.dma_semaphore, #tpu.memory_space<semaphore_mem>>) src(%dma_wait3A_128 : memref<1000000xf32, #tpu.memory_space<hbm>>) dst(%dma_wait3A_124 : memref<128xf32, #tpu.memory_space<vmem>>)
    %dma_wait3A_129 = arith.constant 640 : i32
    %dma_wait3A_130 = tpu.memref_slice %arg12[%dma_wait3A_129] : memref<1600xf32, #tpu.memory_space<vmem>> -> memref<128xf32, #tpu.memory_space<vmem>>
    %dma_wait3A_131 = arith.constant 640 : i32
    %dma_wait3A_132 = tpu.memref_slice %arg10[%dma_wait3A_131] : memref<1600xi32, #tpu.memory_space<vmem>> -> memref<128xi32, #tpu.memory_space<vmem>>
    %dma_wait3A_133 = arith.constant 0 : i32
    %dma_wait3A_134 = tpu.memref_slice %arg3[%dma_wait3A_133] : memref<1000000xf32, #tpu.memory_space<hbm>> -> memref<1000000xf32, #tpu.memory_space<hbm>>
    tpu.wait_indirect_dma semaphore(%arg15 : memref<!tpu.dma_semaphore, #tpu.memory_space<semaphore_mem>>) src(%dma_wait3A_134 : memref<1000000xf32, #tpu.memory_space<hbm>>) dst(%dma_wait3A_130 : memref<128xf32, #tpu.memory_space<vmem>>)
    %dma_wait3A_135 = arith.constant 768 : i32
    %dma_wait3A_136 = tpu.memref_slice %arg12[%dma_wait3A_135] : memref<1600xf32, #tpu.memory_space<vmem>> -> memref<128xf32, #tpu.memory_space<vmem>>
    %dma_wait3A_137 = arith.constant 768 : i32
    %dma_wait3A_138 = tpu.memref_slice %arg10[%dma_wait3A_137] : memref<1600xi32, #tpu.memory_space<vmem>> -> memref<128xi32, #tpu.memory_space<vmem>>
    %dma_wait3A_139 = arith.constant 0 : i32
    %dma_wait3A_140 = tpu.memref_slice %arg3[%dma_wait3A_139] : memref<1000000xf32, #tpu.memory_space<hbm>> -> memref<1000000xf32, #tpu.memory_space<hbm>>
    tpu.wait_indirect_dma semaphore(%arg15 : memref<!tpu.dma_semaphore, #tpu.memory_space<semaphore_mem>>) src(%dma_wait3A_140 : memref<1000000xf32, #tpu.memory_space<hbm>>) dst(%dma_wait3A_136 : memref<128xf32, #tpu.memory_space<vmem>>)
    %dma_wait3A_141 = arith.constant 896 : i32
    %dma_wait3A_142 = tpu.memref_slice %arg12[%dma_wait3A_141] : memref<1600xf32, #tpu.memory_space<vmem>> -> memref<128xf32, #tpu.memory_space<vmem>>
    %dma_wait3A_143 = arith.constant 896 : i32
    %dma_wait3A_144 = tpu.memref_slice %arg10[%dma_wait3A_143] : memref<1600xi32, #tpu.memory_space<vmem>> -> memref<128xi32, #tpu.memory_space<vmem>>
    %dma_wait3A_145 = arith.constant 0 : i32
    %dma_wait3A_146 = tpu.memref_slice %arg3[%dma_wait3A_145] : memref<1000000xf32, #tpu.memory_space<hbm>> -> memref<1000000xf32, #tpu.memory_space<hbm>>
    tpu.wait_indirect_dma semaphore(%arg15 : memref<!tpu.dma_semaphore, #tpu.memory_space<semaphore_mem>>) src(%dma_wait3A_146 : memref<1000000xf32, #tpu.memory_space<hbm>>) dst(%dma_wait3A_142 : memref<128xf32, #tpu.memory_space<vmem>>)
    %dma_wait3A_147 = arith.constant 1024 : i32
    %dma_wait3A_148 = tpu.memref_slice %arg12[%dma_wait3A_147] : memref<1600xf32, #tpu.memory_space<vmem>> -> memref<128xf32, #tpu.memory_space<vmem>>
    %dma_wait3A_149 = arith.constant 1024 : i32
    %dma_wait3A_150 = tpu.memref_slice %arg10[%dma_wait3A_149] : memref<1600xi32, #tpu.memory_space<vmem>> -> memref<128xi32, #tpu.memory_space<vmem>>
    %dma_wait3A_151 = arith.constant 0 : i32
    %dma_wait3A_152 = tpu.memref_slice %arg3[%dma_wait3A_151] : memref<1000000xf32, #tpu.memory_space<hbm>> -> memref<1000000xf32, #tpu.memory_space<hbm>>
    tpu.wait_indirect_dma semaphore(%arg15 : memref<!tpu.dma_semaphore, #tpu.memory_space<semaphore_mem>>) src(%dma_wait3A_152 : memref<1000000xf32, #tpu.memory_space<hbm>>) dst(%dma_wait3A_148 : memref<128xf32, #tpu.memory_space<vmem>>)
    %dma_wait3A_153 = arith.constant 1152 : i32
    %dma_wait3A_154 = tpu.memref_slice %arg12[%dma_wait3A_153] : memref<1600xf32, #tpu.memory_space<vmem>> -> memref<128xf32, #tpu.memory_space<vmem>>
    %dma_wait3A_155 = arith.constant 1152 : i32
    %dma_wait3A_156 = tpu.memref_slice %arg10[%dma_wait3A_155] : memref<1600xi32, #tpu.memory_space<vmem>> -> memref<128xi32, #tpu.memory_space<vmem>>
    %dma_wait3A_157 = arith.constant 0 : i32
    %dma_wait3A_158 = tpu.memref_slice %arg3[%dma_wait3A_157] : memref<1000000xf32, #tpu.memory_space<hbm>> -> memref<1000000xf32, #tpu.memory_space<hbm>>
    tpu.wait_indirect_dma semaphore(%arg15 : memref<!tpu.dma_semaphore, #tpu.memory_space<semaphore_mem>>) src(%dma_wait3A_158 : memref<1000000xf32, #tpu.memory_space<hbm>>) dst(%dma_wait3A_154 : memref<128xf32, #tpu.memory_space<vmem>>)
    %dma_wait3A_159 = arith.constant 1280 : i32
    %dma_wait3A_160 = tpu.memref_slice %arg12[%dma_wait3A_159] : memref<1600xf32, #tpu.memory_space<vmem>> -> memref<128xf32, #tpu.memory_space<vmem>>
    %dma_wait3A_161 = arith.constant 1280 : i32
    %dma_wait3A_162 = tpu.memref_slice %arg10[%dma_wait3A_161] : memref<1600xi32, #tpu.memory_space<vmem>> -> memref<128xi32, #tpu.memory_space<vmem>>
    %dma_wait3A_163 = arith.constant 0 : i32
    %dma_wait3A_164 = tpu.memref_slice %arg3[%dma_wait3A_163] : memref<1000000xf32, #tpu.memory_space<hbm>> -> memref<1000000xf32, #tpu.memory_space<hbm>>
    tpu.wait_indirect_dma semaphore(%arg15 : memref<!tpu.dma_semaphore, #tpu.memory_space<semaphore_mem>>) src(%dma_wait3A_164 : memref<1000000xf32, #tpu.memory_space<hbm>>) dst(%dma_wait3A_160 : memref<128xf32, #tpu.memory_space<vmem>>)
    %dma_wait3A_165 = arith.constant 1408 : i32
    %dma_wait3A_166 = tpu.memref_slice %arg12[%dma_wait3A_165] : memref<1600xf32, #tpu.memory_space<vmem>> -> memref<128xf32, #tpu.memory_space<vmem>>
    %dma_wait3A_167 = arith.constant 1408 : i32
    %dma_wait3A_168 = tpu.memref_slice %arg10[%dma_wait3A_167] : memref<1600xi32, #tpu.memory_space<vmem>> -> memref<128xi32, #tpu.memory_space<vmem>>
    %dma_wait3A_169 = arith.constant 0 : i32
    %dma_wait3A_170 = tpu.memref_slice %arg3[%dma_wait3A_169] : memref<1000000xf32, #tpu.memory_space<hbm>> -> memref<1000000xf32, #tpu.memory_space<hbm>>
    tpu.wait_indirect_dma semaphore(%arg15 : memref<!tpu.dma_semaphore, #tpu.memory_space<semaphore_mem>>) src(%dma_wait3A_170 : memref<1000000xf32, #tpu.memory_space<hbm>>) dst(%dma_wait3A_166 : memref<128xf32, #tpu.memory_space<vmem>>)
    %dma_wait3A_171 = arith.constant 1536 : i32
    %dma_wait3A_172 = tpu.memref_slice %arg12[%dma_wait3A_171] : memref<1600xf32, #tpu.memory_space<vmem>> -> memref<64xf32, #tpu.memory_space<vmem>>
    %dma_wait3A_173 = arith.constant 1536 : i32
    %dma_wait3A_174 = tpu.memref_slice %arg10[%dma_wait3A_173] : memref<1600xi32, #tpu.memory_space<vmem>> -> memref<64xi32, #tpu.memory_space<vmem>>
    %dma_wait3A_175 = arith.constant 0 : i32
    %dma_wait3A_176 = tpu.memref_slice %arg3[%dma_wait3A_175] : memref<1000000xf32, #tpu.memory_space<hbm>> -> memref<1000000xf32, #tpu.memory_space<hbm>>
    tpu.wait_indirect_dma semaphore(%arg15 : memref<!tpu.dma_semaphore, #tpu.memory_space<semaphore_mem>>) src(%dma_wait3A_176 : memref<1000000xf32, #tpu.memory_space<hbm>>) dst(%dma_wait3A_172 : memref<64xf32, #tpu.memory_space<vmem>>)
    %broadcast_in_dim3A = arith.constant 0.000000e+00 : f32
    %broadcast_in_dim3A_177 = vector.broadcast %broadcast_in_dim3A : f32 to vector<16xf32>
    %swap3A = arith.constant 0 : index
    %swap3A_178 = tpu.vector_load %arg13[%swap3A] {strides = array<i32>} : memref<16xf32, #tpu.memory_space<vmem>>, vector<16xf32>,
    tpu.vector_store %arg13[%swap3A], %broadcast_in_dim3A_177 {strides = array<i32>} : memref<16xf32, #tpu.memory_space<vmem>>, vector<16xf32>,
    %scan3A = arith.constant 0 : i32
    %scan3A_179 = arith.constant 0 : i32
    %scan3A_180 = arith.constant 24 : i32
    %scan3A_181 = arith.addi %scan3A_179, %scan3A_180 : i32
    %scan3A_182 = arith.constant 1 : i32
    %scan3A_183 = scf.for %scan3A_306 = %scan3A_179 to %scan3A_181 step %scan3A_182 iter_args(%scan3A_307 = %scan3A) -> (i32)  : i32 {
      %mul3A_308 = arith.constant 2 : i32
      %mul3A_309 = arith.muli %scan3A_306, %mul3A_308 : i32
      %add3A_310 = arith.constant 0 : i32
      %add3A_311 = arith.addi %mul3A_309, %add3A_310 : i32
      %mul3A_312 = arith.constant 32 : i32
      %mul3A_313 = arith.muli %add3A_311, %mul3A_312 : i32
      %dma_wait3A_314 = arith.constant 0 : i32
      %dma_wait3A_315 = arith.constant 0 : i32
      %dma_wait3A_316 = arith.constant 0 : i32
      %dma_wait3A_317 = tpu.memref_slice %arg14[%dma_wait3A_314, %dma_wait3A_315, %dma_wait3A_316] : memref<2x32x1024xf32, #tpu.memory_space<vmem>> -> memref<1x32x1024xf32, #tpu.memory_space<vmem>>
      %dma_wait3A_318 = tpu.memref_squeeze %dma_wait3A_317 : memref<1x32x1024xf32, #tpu.memory_space<vmem>> -> memref<32x1024xf32, #tpu.memory_space<vmem>>
      %dma_wait3A_319 = tpu.memref_slice %arg9[%mul3A_313] : memref<1600xi32, #tpu.memory_space<vmem>> -> memref<32xi32, #tpu.memory_space<vmem>>
      %dma_wait3A_320 = arith.constant 0 : i32
      %dma_wait3A_321 = arith.constant 0 : i32
      %dma_wait3A_322 = tpu.memref_slice %arg2[%dma_wait3A_320, %dma_wait3A_321] : memref<1000x1024xf32, #tpu.memory_space<hbm>> -> memref<1000x1024xf32, #tpu.memory_space<hbm>>
      tpu.wait_indirect_dma semaphore(%arg16 : memref<!tpu.dma_semaphore, #tpu.memory_space<semaphore_mem>>) src(%dma_wait3A_322 : memref<1000x1024xf32, #tpu.memory_space<hbm>>) dst(%dma_wait3A_318 : memref<32x1024xf32, #tpu.memory_space<vmem>>)
      %mul3A_323 = arith.constant 32 : i32
      %mul3A_324 = arith.muli %add3A_311, %mul3A_323 : i32
      %add3A_325 = arith.addi %mul3A_2, %mul3A_324 : i32
      %dma_start3A_326 = arith.constant 0 : i32
      %dma_start3A_327 = arith.constant 0 : i32
      %dma_start3A_328 = arith.constant 0 : i32
      %dma_start3A_329 = tpu.memref_slice %arg14[%dma_start3A_326, %dma_start3A_327, %dma_start3A_328] : memref<2x32x1024xf32, #tpu.memory_space<vmem>> -> memref<1x32x1024xf32, #tpu.memory_space<vmem>>
      %dma_start3A_330 = tpu.memref_squeeze %dma_start3A_329 : memref<1x32x1024xf32, #tpu.memory_space<vmem>> -> memref<32x1024xf32, #tpu.memory_space<vmem>>
      %dma_start3A_331 = arith.constant 0 : i32
      %dma_start3A_332 = tpu.memref_slice %arg7[%add3A_325, %dma_start3A_331] : memref<51200x1024xf32, #tpu.memory_space<hbm>> -> memref<32x1024xf32, #tpu.memory_space<hbm>>
      %dma_start3A_333 = arith.constant 0 : i32
      %dma_start3A_334 = tpu.memref_slice %arg7[%add3A_325, %dma_start3A_333] : memref<51200x1024xf32, #tpu.memory_space<hbm>> -> memref<32x1024xf32, #tpu.memory_space<hbm>>
      %dma_start3A_335 = arith.constant 0 : i32
      %dma_start3A_336 = arith.constant 0 : i32
      %dma_start3A_337 = tpu.memref_slice %arg14[%dma_start3A_326, %dma_start3A_335, %dma_start3A_336] : memref<2x32x1024xf32, #tpu.memory_space<vmem>> -> memref<1x32x1024xf32, #tpu.memory_space<vmem>>
      %dma_start3A_338 = tpu.memref_squeeze %dma_start3A_337 : memref<1x32x1024xf32, #tpu.memory_space<vmem>> -> memref<32x1024xf32, #tpu.memory_space<vmem>>
      tpu.enqueue_dma source(%dma_start3A_338 : memref<32x1024xf32, #tpu.memory_space<vmem>>) target(%dma_start3A_334 : memref<32x1024xf32, #tpu.memory_space<hbm>>) target_semaphore(%arg18 : memref<!tpu.dma_semaphore, #tpu.memory_space<semaphore_mem>>)
      %mul3A_339 = arith.constant 2 : i32
      %mul3A_340 = arith.muli %add3A_311, %mul3A_339 : i32
      %add3A_341 = arith.constant 0 : i32
      %add3A_342 = arith.addi %mul3A_340, %add3A_341 : i32
      %mul3A_343 = arith.constant 16 : i32
      %mul3A_344 = arith.muli %add3A_342, %mul3A_343 : i32
      %get3A_345 = arith.index_cast %mul3A_344 : i32 to index
      %get3A_346 = tpu.vector_load %arg9[%get3A_345] {strides = array<i32>} : memref<1600xi32, #tpu.memory_space<vmem>>, vector<16xi32>,
      %gather3A_347 = tpu.vector_load_idx %arg11[%get3A_346] : memref<1000xf32, #tpu.memory_space<vmem>>[vector<16xi32>], vector<16xf32>,
      %get3A_348 = arith.constant 0 : index
      %get3A_349 = tpu.vector_load %arg13[%get3A_348] {strides = array<i32>} : memref<16xf32, #tpu.memory_space<vmem>>, vector<16xf32>,
      %mul3A_350 = arith.constant 16 : i32
      %mul3A_351 = arith.muli %add3A_342, %mul3A_350 : i32
      %get3A_352 = arith.index_cast %mul3A_351 : i32 to index
      %get3A_353 = tpu.vector_load %arg12[%get3A_352] {strides = array<i32>} : memref<1600xf32, #tpu.memory_space<vmem>>, vector<16xf32>,
      %sub3A_354 = arith.subf %gather3A_347, %get3A_353 : vector<16xf32>
      %add3A_355 = arith.addf %get3A_349, %sub3A_354 : vector<16xf32>
      %swap3A_356 = arith.constant 0 : index
      %swap3A_357 = tpu.vector_load %arg13[%swap3A_356] {strides = array<i32>} : memref<16xf32, #tpu.memory_space<vmem>>, vector<16xf32>,
      tpu.vector_store %arg13[%swap3A_356], %add3A_355 {strides = array<i32>} : memref<16xf32, #tpu.memory_space<vmem>>, vector<16xf32>,
      %mul3A_358 = arith.constant 2 : i32
      %mul3A_359 = arith.muli %add3A_311, %mul3A_358 : i32
      %add3A_360 = arith.constant 1 : i32
      %add3A_361 = arith.addi %mul3A_359, %add3A_360 : i32
      %mul3A_362 = arith.constant 16 : i32
      %mul3A_363 = arith.muli %add3A_361, %mul3A_362 : i32
      %get3A_364 = arith.index_cast %mul3A_363 : i32 to index
      %get3A_365 = tpu.vector_load %arg9[%get3A_364] {strides = array<i32>} : memref<1600xi32, #tpu.memory_space<vmem>>, vector<16xi32>,
      %gather3A_366 = tpu.vector_load_idx %arg11[%get3A_365] : memref<1000xf32, #tpu.memory_space<vmem>>[vector<16xi32>], vector<16xf32>,
      %get3A_367 = arith.constant 0 : index
      %get3A_368 = tpu.vector_load %arg13[%get3A_367] {strides = array<i32>} : memref<16xf32, #tpu.memory_space<vmem>>, vector<16xf32>,
      %mul3A_369 = arith.constant 16 : i32
      %mul3A_370 = arith.muli %add3A_361, %mul3A_369 : i32
      %get3A_371 = arith.index_cast %mul3A_370 : i32 to index
      %get3A_372 = tpu.vector_load %arg12[%get3A_371] {strides = array<i32>} : memref<1600xf32, #tpu.memory_space<vmem>>, vector<16xf32>,
      %sub3A_373 = arith.subf %gather3A_366, %get3A_372 : vector<16xf32>
      %add3A_374 = arith.addf %get3A_368, %sub3A_373 : vector<16xf32>
      %swap3A_375 = arith.constant 0 : index
      %swap3A_376 = tpu.vector_load %arg13[%swap3A_375] {strides = array<i32>} : memref<16xf32, #tpu.memory_space<vmem>>, vector<16xf32>,
      tpu.vector_store %arg13[%swap3A_375], %add3A_374 {strides = array<i32>} : memref<16xf32, #tpu.memory_space<vmem>>, vector<16xf32>,
      %mul3A_377 = arith.constant 32 : i32
      %mul3A_378 = arith.muli %add3A_311, %mul3A_377 : i32
      %add3A_379 = arith.addi %mul3A_2, %mul3A_378 : i32
      %dma_wait3A_380 = arith.constant 0 : i32
      %dma_wait3A_381 = arith.constant 0 : i32
      %dma_wait3A_382 = arith.constant 0 : i32
      %dma_wait3A_383 = tpu.memref_slice %arg14[%dma_wait3A_380, %dma_wait3A_381, %dma_wait3A_382] : memref<2x32x1024xf32, #tpu.memory_space<vmem>> -> memref<1x32x1024xf32, #tpu.memory_space<vmem>>
      %dma_wait3A_384 = tpu.memref_squeeze %dma_wait3A_383 : memref<1x32x1024xf32, #tpu.memory_space<vmem>> -> memref<32x1024xf32, #tpu.memory_space<vmem>>
      %dma_wait3A_385 = arith.constant 0 : i32
      %dma_wait3A_386 = tpu.memref_slice %arg7[%add3A_379, %dma_wait3A_385] : memref<51200x1024xf32, #tpu.memory_space<hbm>> -> memref<32x1024xf32, #tpu.memory_space<hbm>>
      %dma_wait3A_387 = arith.constant 0 : i32
      %dma_wait3A_388 = tpu.memref_slice %arg7[%add3A_379, %dma_wait3A_387] : memref<51200x1024xf32, #tpu.memory_space<hbm>> -> memref<32x1024xf32, #tpu.memory_space<hbm>>
      %dma_wait3A_389 = arith.constant 0 : i32
      %dma_wait3A_390 = arith.constant 0 : i32
      %dma_wait3A_391 = tpu.memref_slice %arg14[%dma_wait3A_380, %dma_wait3A_389, %dma_wait3A_390] : memref<2x32x1024xf32, #tpu.memory_space<vmem>> -> memref<1x32x1024xf32, #tpu.memory_space<vmem>>
      %dma_wait3A_392 = tpu.memref_squeeze %dma_wait3A_391 : memref<1x32x1024xf32, #tpu.memory_space<vmem>> -> memref<32x1024xf32, #tpu.memory_space<vmem>>
      tpu.wait_dma2 semaphore(%arg18 : memref<!tpu.dma_semaphore, #tpu.memory_space<semaphore_mem>>) src(%dma_wait3A_392 : memref<32x1024xf32, #tpu.memory_space<vmem>>) dst(%dma_wait3A_388 : memref<32x1024xf32, #tpu.memory_space<hbm>>)
      %add3A_393 = arith.constant 2 : i32
      %add3A_394 = arith.addi %add3A_311, %add3A_393 : i32
      %mul3A_395 = arith.constant 32 : i32
      %mul3A_396 = arith.muli %add3A_394, %mul3A_395 : i32
      %dma_start3A_397 = arith.constant 0 : i32
      %dma_start3A_398 = arith.constant 0 : i32
      %dma_start3A_399 = arith.constant 0 : i32
      %dma_start3A_400 = tpu.memref_slice %arg14[%dma_start3A_397, %dma_start3A_398, %dma_start3A_399] : memref<2x32x1024xf32, #tpu.memory_space<vmem>> -> memref<1x32x1024xf32, #tpu.memory_space<vmem>>
      %dma_start3A_401 = tpu.memref_squeeze %dma_start3A_400 : memref<1x32x1024xf32, #tpu.memory_space<vmem>> -> memref<32x1024xf32, #tpu.memory_space<vmem>>
      %dma_start3A_402 = tpu.memref_slice %arg9[%mul3A_396] : memref<1600xi32, #tpu.memory_space<vmem>> -> memref<32xi32, #tpu.memory_space<vmem>>
      %dma_start3A_403 = arith.constant 0 : i32
      %dma_start3A_404 = arith.constant 0 : i32
      %dma_start3A_405 = tpu.memref_slice %arg2[%dma_start3A_403, %dma_start3A_404] : memref<1000x1024xf32, #tpu.memory_space<hbm>> -> memref<1000x1024xf32, #tpu.memory_space<hbm>>
      tpu.enqueue_indirect_dma source(%dma_start3A_405 : memref<1000x1024xf32, #tpu.memory_space<hbm>>) target(%dma_start3A_401 : memref<32x1024xf32, #tpu.memory_space<vmem>>) offsets(%dma_start3A_402 : memref<32xi32, #tpu.memory_space<vmem>>) semaphore(%arg16 : memref<!tpu.dma_semaphore, #tpu.memory_space<semaphore_mem>>)
      %mul3A_406 = arith.constant 2 : i32
      %mul3A_407 = arith.muli %scan3A_306, %mul3A_406 : i32
      %add3A_408 = arith.constant 1 : i32
      %add3A_409 = arith.addi %mul3A_407, %add3A_408 : i32
      %mul3A_410 = arith.constant 32 : i32
      %mul3A_411 = arith.muli %add3A_409, %mul3A_410 : i32
      %dma_wait3A_412 = arith.constant 1 : i32
      %dma_wait3A_413 = arith.constant 0 : i32
      %dma_wait3A_414 = arith.constant 0 : i32
      %dma_wait3A_415 = tpu.memref_slice %arg14[%dma_wait3A_412, %dma_wait3A_413, %dma_wait3A_414] : memref<2x32x1024xf32, #tpu.memory_space<vmem>> -> memref<1x32x1024xf32, #tpu.memory_space<vmem>>
      %dma_wait3A_416 = tpu.memref_squeeze %dma_wait3A_415 : memref<1x32x1024xf32, #tpu.memory_space<vmem>> -> memref<32x1024xf32, #tpu.memory_space<vmem>>
      %dma_wait3A_417 = tpu.memref_slice %arg9[%mul3A_411] : memref<1600xi32, #tpu.memory_space<vmem>> -> memref<32xi32, #tpu.memory_space<vmem>>
      %dma_wait3A_418 = arith.constant 0 : i32
      %dma_wait3A_419 = arith.constant 0 : i32
      %dma_wait3A_420 = tpu.memref_slice %arg2[%dma_wait3A_418, %dma_wait3A_419] : memref<1000x1024xf32, #tpu.memory_space<hbm>> -> memref<1000x1024xf32, #tpu.memory_space<hbm>>
      tpu.wait_indirect_dma semaphore(%arg17 : memref<!tpu.dma_semaphore, #tpu.memory_space<semaphore_mem>>) src(%dma_wait3A_420 : memref<1000x1024xf32, #tpu.memory_space<hbm>>) dst(%dma_wait3A_416 : memref<32x1024xf32, #tpu.memory_space<vmem>>)
      %mul3A_421 = arith.constant 32 : i32
      %mul3A_422 = arith.muli %add3A_409, %mul3A_421 : i32
      %add3A_423 = arith.addi %mul3A_2, %mul3A_422 : i32
      %dma_start3A_424 = arith.constant 1 : i32
      %dma_start3A_425 = arith.constant 0 : i32
      %dma_start3A_426 = arith.constant 0 : i32
      %dma_start3A_427 = tpu.memref_slice %arg14[%dma_start3A_424, %dma_start3A_425, %dma_start3A_426] : memref<2x32x1024xf32, #tpu.memory_space<vmem>> -> memref<1x32x1024xf32, #tpu.memory_space<vmem>>
      %dma_start3A_428 = tpu.memref_squeeze %dma_start3A_427 : memref<1x32x1024xf32, #tpu.memory_space<vmem>> -> memref<32x1024xf32, #tpu.memory_space<vmem>>
      %dma_start3A_429 = arith.constant 0 : i32
      %dma_start3A_430 = tpu.memref_slice %arg7[%add3A_423, %dma_start3A_429] : memref<51200x1024xf32, #tpu.memory_space<hbm>> -> memref<32x1024xf32, #tpu.memory_space<hbm>>
      %dma_start3A_431 = arith.constant 0 : i32
      %dma_start3A_432 = tpu.memref_slice %arg7[%add3A_423, %dma_start3A_431] : memref<51200x1024xf32, #tpu.memory_space<hbm>> -> memref<32x1024xf32, #tpu.memory_space<hbm>>
      %dma_start3A_433 = arith.constant 0 : i32
      %dma_start3A_434 = arith.constant 0 : i32
      %dma_start3A_435 = tpu.memref_slice %arg14[%dma_start3A_424, %dma_start3A_433, %dma_start3A_434] : memref<2x32x1024xf32, #tpu.memory_space<vmem>> -> memref<1x32x1024xf32, #tpu.memory_space<vmem>>
      %dma_start3A_436 = tpu.memref_squeeze %dma_start3A_435 : memref<1x32x1024xf32, #tpu.memory_space<vmem>> -> memref<32x1024xf32, #tpu.memory_space<vmem>>
      tpu.enqueue_dma source(%dma_start3A_436 : memref<32x1024xf32, #tpu.memory_space<vmem>>) target(%dma_start3A_432 : memref<32x1024xf32, #tpu.memory_space<hbm>>) target_semaphore(%arg19 : memref<!tpu.dma_semaphore, #tpu.memory_space<semaphore_mem>>)
      %mul3A_437 = arith.constant 2 : i32
      %mul3A_438 = arith.muli %add3A_409, %mul3A_437 : i32
      %add3A_439 = arith.constant 0 : i32
      %add3A_440 = arith.addi %mul3A_438, %add3A_439 : i32
      %mul3A_441 = arith.constant 16 : i32
      %mul3A_442 = arith.muli %add3A_440, %mul3A_441 : i32
      %get3A_443 = arith.index_cast %mul3A_442 : i32 to index
      %get3A_444 = tpu.vector_load %arg9[%get3A_443] {strides = array<i32>} : memref<1600xi32, #tpu.memory_space<vmem>>, vector<16xi32>,
      %gather3A_445 = tpu.vector_load_idx %arg11[%get3A_444] : memref<1000xf32, #tpu.memory_space<vmem>>[vector<16xi32>], vector<16xf32>,
      %get3A_446 = arith.constant 0 : index
      %get3A_447 = tpu.vector_load %arg13[%get3A_446] {strides = array<i32>} : memref<16xf32, #tpu.memory_space<vmem>>, vector<16xf32>,
      %mul3A_448 = arith.constant 16 : i32
      %mul3A_449 = arith.muli %add3A_440, %mul3A_448 : i32
      %get3A_450 = arith.index_cast %mul3A_449 : i32 to index
      %get3A_451 = tpu.vector_load %arg12[%get3A_450] {strides = array<i32>} : memref<1600xf32, #tpu.memory_space<vmem>>, vector<16xf32>,
      %sub3A_452 = arith.subf %gather3A_445, %get3A_451 : vector<16xf32>
      %add3A_453 = arith.addf %get3A_447, %sub3A_452 : vector<16xf32>
      %swap3A_454 = arith.constant 0 : index
      %swap3A_455 = tpu.vector_load %arg13[%swap3A_454] {strides = array<i32>} : memref<16xf32, #tpu.memory_space<vmem>>, vector<16xf32>,
      tpu.vector_store %arg13[%swap3A_454], %add3A_453 {strides = array<i32>} : memref<16xf32, #tpu.memory_space<vmem>>, vector<16xf32>,
      %mul3A_456 = arith.constant 2 : i32
      %mul3A_457 = arith.muli %add3A_409, %mul3A_456 : i32
      %add3A_458 = arith.constant 1 : i32
      %add3A_459 = arith.addi %mul3A_457, %add3A_458 : i32
      %mul3A_460 = arith.constant 16 : i32
      %mul3A_461 = arith.muli %add3A_459, %mul3A_460 : i32
      %get3A_462 = arith.index_cast %mul3A_461 : i32 to index
      %get3A_463 = tpu.vector_load %arg9[%get3A_462] {strides = array<i32>} : memref<1600xi32, #tpu.memory_space<vmem>>, vector<16xi32>,
      %gather3A_464 = tpu.vector_load_idx %arg11[%get3A_463] : memref<1000xf32, #tpu.memory_space<vmem>>[vector<16xi32>], vector<16xf32>,
      %get3A_465 = arith.constant 0 : index
      %get3A_466 = tpu.vector_load %arg13[%get3A_465] {strides = array<i32>} : memref<16xf32, #tpu.memory_space<vmem>>, vector<16xf32>,
      %mul3A_467 = arith.constant 16 : i32
      %mul3A_468 = arith.muli %add3A_459, %mul3A_467 : i32
      %get3A_469 = arith.index_cast %mul3A_468 : i32 to index
      %get3A_470 = tpu.vector_load %arg12[%get3A_469] {strides = array<i32>} : memref<1600xf32, #tpu.memory_space<vmem>>, vector<16xf32>,
      %sub3A_471 = arith.subf %gather3A_464, %get3A_470 : vector<16xf32>
      %add3A_472 = arith.addf %get3A_466, %sub3A_471 : vector<16xf32>
      %swap3A_473 = arith.constant 0 : index
      %swap3A_474 = tpu.vector_load %arg13[%swap3A_473] {strides = array<i32>} : memref<16xf32, #tpu.memory_space<vmem>>, vector<16xf32>,
      tpu.vector_store %arg13[%swap3A_473], %add3A_472 {strides = array<i32>} : memref<16xf32, #tpu.memory_space<vmem>>, vector<16xf32>,
      %mul3A_475 = arith.constant 32 : i32
      %mul3A_476 = arith.muli %add3A_409, %mul3A_475 : i32
      %add3A_477 = arith.addi %mul3A_2, %mul3A_476 : i32
      %dma_wait3A_478 = arith.constant 1 : i32
      %dma_wait3A_479 = arith.constant 0 : i32
      %dma_wait3A_480 = arith.constant 0 : i32
      %dma_wait3A_481 = tpu.memref_slice %arg14[%dma_wait3A_478, %dma_wait3A_479, %dma_wait3A_480] : memref<2x32x1024xf32, #tpu.memory_space<vmem>> -> memref<1x32x1024xf32, #tpu.memory_space<vmem>>
      %dma_wait3A_482 = tpu.memref_squeeze %dma_wait3A_481 : memref<1x32x1024xf32, #tpu.memory_space<vmem>> -> memref<32x1024xf32, #tpu.memory_space<vmem>>
      %dma_wait3A_483 = arith.constant 0 : i32
      %dma_wait3A_484 = tpu.memref_slice %arg7[%add3A_477, %dma_wait3A_483] : memref<51200x1024xf32, #tpu.memory_space<hbm>> -> memref<32x1024xf32, #tpu.memory_space<hbm>>
      %dma_wait3A_485 = arith.constant 0 : i32
      %dma_wait3A_486 = tpu.memref_slice %arg7[%add3A_477, %dma_wait3A_485] : memref<51200x1024xf32, #tpu.memory_space<hbm>> -> memref<32x1024xf32, #tpu.memory_space<hbm>>
      %dma_wait3A_487 = arith.constant 0 : i32
      %dma_wait3A_488 = arith.constant 0 : i32
      %dma_wait3A_489 = tpu.memref_slice %arg14[%dma_wait3A_478, %dma_wait3A_487, %dma_wait3A_488] : memref<2x32x1024xf32, #tpu.memory_space<vmem>> -> memref<1x32x1024xf32, #tpu.memory_space<vmem>>
      %dma_wait3A_490 = tpu.memref_squeeze %dma_wait3A_489 : memref<1x32x1024xf32, #tpu.memory_space<vmem>> -> memref<32x1024xf32, #tpu.memory_space<vmem>>
      tpu.wait_dma2 semaphore(%arg19 : memref<!tpu.dma_semaphore, #tpu.memory_space<semaphore_mem>>) src(%dma_wait3A_490 : memref<32x1024xf32, #tpu.memory_space<vmem>>) dst(%dma_wait3A_486 : memref<32x1024xf32, #tpu.memory_space<hbm>>)
      %add3A_491 = arith.constant 2 : i32
      %add3A_492 = arith.addi %add3A_409, %add3A_491 : i32
      %mul3A_493 = arith.constant 32 : i32
      %mul3A_494 = arith.muli %add3A_492, %mul3A_493 : i32
      %dma_start3A_495 = arith.constant 1 : i32
      %dma_start3A_496 = arith.constant 0 : i32
      %dma_start3A_497 = arith.constant 0 : i32
      %dma_start3A_498 = tpu.memref_slice %arg14[%dma_start3A_495, %dma_start3A_496, %dma_start3A_497] : memref<2x32x1024xf32, #tpu.memory_space<vmem>> -> memref<1x32x1024xf32, #tpu.memory_space<vmem>>
      %dma_start3A_499 = tpu.memref_squeeze %dma_start3A_498 : memref<1x32x1024xf32, #tpu.memory_space<vmem>> -> memref<32x1024xf32, #tpu.memory_space<vmem>>
      %dma_start3A_500 = tpu.memref_slice %arg9[%mul3A_494] : memref<1600xi32, #tpu.memory_space<vmem>> -> memref<32xi32, #tpu.memory_space<vmem>>
      %dma_start3A_501 = arith.constant 0 : i32
      %dma_start3A_502 = arith.constant 0 : i32
      %dma_start3A_503 = tpu.memref_slice %arg2[%dma_start3A_501, %dma_start3A_502] : memref<1000x1024xf32, #tpu.memory_space<hbm>> -> memref<1000x1024xf32, #tpu.memory_space<hbm>>
      tpu.enqueue_indirect_dma source(%dma_start3A_503 : memref<1000x1024xf32, #tpu.memory_space<hbm>>) target(%dma_start3A_499 : memref<32x1024xf32, #tpu.memory_space<vmem>>) offsets(%dma_start3A_500 : memref<32xi32, #tpu.memory_space<vmem>>) semaphore(%arg17 : memref<!tpu.dma_semaphore, #tpu.memory_space<semaphore_mem>>)
      %scan3A_504 = arith.constant 0 : i32
      scf.yield %scan3A_504 : i32
    }
    %scan3A_184 = arith.constant 24 : i32
    %dma_wait3A_185 = arith.constant 0 : i32
    %dma_wait3A_186 = arith.constant 0 : i32
    %dma_wait3A_187 = arith.constant 0 : i32
    %dma_wait3A_188 = tpu.memref_slice %arg14[%dma_wait3A_185, %dma_wait3A_186, %dma_wait3A_187] : memref<2x32x1024xf32, #tpu.memory_space<vmem>> -> memref<1x32x1024xf32, #tpu.memory_space<vmem>>
    %dma_wait3A_189 = tpu.memref_squeeze %dma_wait3A_188 : memref<1x32x1024xf32, #tpu.memory_space<vmem>> -> memref<32x1024xf32, #tpu.memory_space<vmem>>
    %dma_wait3A_190 = arith.constant 1536 : i32
    %dma_wait3A_191 = tpu.memref_slice %arg9[%dma_wait3A_190] : memref<1600xi32, #tpu.memory_space<vmem>> -> memref<32xi32, #tpu.memory_space<vmem>>
    %dma_wait3A_192 = arith.constant 0 : i32
    %dma_wait3A_193 = arith.constant 0 : i32
    %dma_wait3A_194 = tpu.memref_slice %arg2[%dma_wait3A_192, %dma_wait3A_193] : memref<1000x1024xf32, #tpu.memory_space<hbm>> -> memref<1000x1024xf32, #tpu.memory_space<hbm>>
    tpu.wait_indirect_dma semaphore(%arg16 : memref<!tpu.dma_semaphore, #tpu.memory_space<semaphore_mem>>) src(%dma_wait3A_194 : memref<1000x1024xf32, #tpu.memory_space<hbm>>) dst(%dma_wait3A_189 : memref<32x1024xf32, #tpu.memory_space<vmem>>)
    %add3A_195 = arith.constant 1536 : i32
    %add3A_196 = arith.addi %mul3A_2, %add3A_195 : i32
    %dma_start3A_197 = arith.constant 0 : i32
    %dma_start3A_198 = arith.constant 0 : i32
    %dma_start3A_199 = arith.constant 0 : i32
    %dma_start3A_200 = tpu.memref_slice %arg14[%dma_start3A_197, %dma_start3A_198, %dma_start3A_199] : memref<2x32x1024xf32, #tpu.memory_space<vmem>> -> memref<1x32x1024xf32, #tpu.memory_space<vmem>>
    %dma_start3A_201 = tpu.memref_squeeze %dma_start3A_200 : memref<1x32x1024xf32, #tpu.memory_space<vmem>> -> memref<32x1024xf32, #tpu.memory_space<vmem>>
    %dma_start3A_202 = arith.constant 0 : i32
    %dma_start3A_203 = tpu.memref_slice %arg7[%add3A_196, %dma_start3A_202] : memref<51200x1024xf32, #tpu.memory_space<hbm>> -> memref<32x1024xf32, #tpu.memory_space<hbm>>
    %dma_start3A_204 = arith.constant 0 : i32
    %dma_start3A_205 = tpu.memref_slice %arg7[%add3A_196, %dma_start3A_204] : memref<51200x1024xf32, #tpu.memory_space<hbm>> -> memref<32x1024xf32, #tpu.memory_space<hbm>>
    %dma_start3A_206 = arith.constant 0 : i32
    %dma_start3A_207 = arith.constant 0 : i32
    %dma_start3A_208 = tpu.memref_slice %arg14[%dma_start3A_197, %dma_start3A_206, %dma_start3A_207] : memref<2x32x1024xf32, #tpu.memory_space<vmem>> -> memref<1x32x1024xf32, #tpu.memory_space<vmem>>
    %dma_start3A_209 = tpu.memref_squeeze %dma_start3A_208 : memref<1x32x1024xf32, #tpu.memory_space<vmem>> -> memref<32x1024xf32, #tpu.memory_space<vmem>>
    tpu.enqueue_dma source(%dma_start3A_209 : memref<32x1024xf32, #tpu.memory_space<vmem>>) target(%dma_start3A_205 : memref<32x1024xf32, #tpu.memory_space<hbm>>) target_semaphore(%arg18 : memref<!tpu.dma_semaphore, #tpu.memory_space<semaphore_mem>>)
    %get3A = arith.constant 1536 : index
    %get3A_210 = tpu.vector_load %arg9[%get3A] {strides = array<i32>} : memref<1600xi32, #tpu.memory_space<vmem>>, vector<16xi32>,
    %gather3A = tpu.vector_load_idx %arg11[%get3A_210] : memref<1000xf32, #tpu.memory_space<vmem>>[vector<16xi32>], vector<16xf32>,
    %get3A_211 = arith.constant 0 : index
    %get3A_212 = tpu.vector_load %arg13[%get3A_211] {strides = array<i32>} : memref<16xf32, #tpu.memory_space<vmem>>, vector<16xf32>,
    %get3A_213 = arith.constant 1536 : index
    %get3A_214 = tpu.vector_load %arg12[%get3A_213] {strides = array<i32>} : memref<1600xf32, #tpu.memory_space<vmem>>, vector<16xf32>,
    %sub3A = arith.subf %gather3A, %get3A_214 : vector<16xf32>
    %add3A_215 = arith.addf %get3A_212, %sub3A : vector<16xf32>
    %swap3A_216 = arith.constant 0 : index
    %swap3A_217 = tpu.vector_load %arg13[%swap3A_216] {strides = array<i32>} : memref<16xf32, #tpu.memory_space<vmem>>, vector<16xf32>,
    tpu.vector_store %arg13[%swap3A_216], %add3A_215 {strides = array<i32>} : memref<16xf32, #tpu.memory_space<vmem>>, vector<16xf32>,
    %get3A_218 = arith.constant 1552 : index
    %get3A_219 = tpu.vector_load %arg9[%get3A_218] {strides = array<i32>} : memref<1600xi32, #tpu.memory_space<vmem>>, vector<16xi32>,
    %gather3A_220 = tpu.vector_load_idx %arg11[%get3A_219] : memref<1000xf32, #tpu.memory_space<vmem>>[vector<16xi32>], vector<16xf32>,
    %get3A_221 = arith.constant 0 : index
    %get3A_222 = tpu.vector_load %arg13[%get3A_221] {strides = array<i32>} : memref<16xf32, #tpu.memory_space<vmem>>, vector<16xf32>,
    %get3A_223 = arith.constant 1552 : index
    %get3A_224 = tpu.vector_load %arg12[%get3A_223] {strides = array<i32>} : memref<1600xf32, #tpu.memory_space<vmem>>, vector<16xf32>,
    %sub3A_225 = arith.subf %gather3A_220, %get3A_224 : vector<16xf32>
    %add3A_226 = arith.addf %get3A_222, %sub3A_225 : vector<16xf32>
    %swap3A_227 = arith.constant 0 : index
    %swap3A_228 = tpu.vector_load %arg13[%swap3A_227] {strides = array<i32>} : memref<16xf32, #tpu.memory_space<vmem>>, vector<16xf32>,
    tpu.vector_store %arg13[%swap3A_227], %add3A_226 {strides = array<i32>} : memref<16xf32, #tpu.memory_space<vmem>>, vector<16xf32>,
    %add3A_229 = arith.constant 1536 : i32
    %add3A_230 = arith.addi %mul3A_2, %add3A_229 : i32
    %dma_wait3A_231 = arith.constant 0 : i32
    %dma_wait3A_232 = arith.constant 0 : i32
    %dma_wait3A_233 = arith.constant 0 : i32
    %dma_wait3A_234 = tpu.memref_slice %arg14[%dma_wait3A_231, %dma_wait3A_232, %dma_wait3A_233] : memref<2x32x1024xf32, #tpu.memory_space<vmem>> -> memref<1x32x1024xf32, #tpu.memory_space<vmem>>
    %dma_wait3A_235 = tpu.memref_squeeze %dma_wait3A_234 : memref<1x32x1024xf32, #tpu.memory_space<vmem>> -> memref<32x1024xf32, #tpu.memory_space<vmem>>
    %dma_wait3A_236 = arith.constant 0 : i32
    %dma_wait3A_237 = tpu.memref_slice %arg7[%add3A_230, %dma_wait3A_236] : memref<51200x1024xf32, #tpu.memory_space<hbm>> -> memref<32x1024xf32, #tpu.memory_space<hbm>>
    %dma_wait3A_238 = arith.constant 0 : i32
    %dma_wait3A_239 = tpu.memref_slice %arg7[%add3A_230, %dma_wait3A_238] : memref<51200x1024xf32, #tpu.memory_space<hbm>> -> memref<32x1024xf32, #tpu.memory_space<hbm>>
    %dma_wait3A_240 = arith.constant 0 : i32
    %dma_wait3A_241 = arith.constant 0 : i32
    %dma_wait3A_242 = tpu.memref_slice %arg14[%dma_wait3A_231, %dma_wait3A_240, %dma_wait3A_241] : memref<2x32x1024xf32, #tpu.memory_space<vmem>> -> memref<1x32x1024xf32, #tpu.memory_space<vmem>>
    %dma_wait3A_243 = tpu.memref_squeeze %dma_wait3A_242 : memref<1x32x1024xf32, #tpu.memory_space<vmem>> -> memref<32x1024xf32, #tpu.memory_space<vmem>>
    tpu.wait_dma2 semaphore(%arg18 : memref<!tpu.dma_semaphore, #tpu.memory_space<semaphore_mem>>) src(%dma_wait3A_243 : memref<32x1024xf32, #tpu.memory_space<vmem>>) dst(%dma_wait3A_239 : memref<32x1024xf32, #tpu.memory_space<hbm>>)
    %dma_wait3A_244 = arith.constant 1 : i32
    %dma_wait3A_245 = arith.constant 0 : i32
    %dma_wait3A_246 = arith.constant 0 : i32
    %dma_wait3A_247 = tpu.memref_slice %arg14[%dma_wait3A_244, %dma_wait3A_245, %dma_wait3A_246] : memref<2x32x1024xf32, #tpu.memory_space<vmem>> -> memref<1x32x1024xf32, #tpu.memory_space<vmem>>
    %dma_wait3A_248 = tpu.memref_squeeze %dma_wait3A_247 : memref<1x32x1024xf32, #tpu.memory_space<vmem>> -> memref<32x1024xf32, #tpu.memory_space<vmem>>
    %dma_wait3A_249 = arith.constant 1568 : i32
    %dma_wait3A_250 = tpu.memref_slice %arg9[%dma_wait3A_249] : memref<1600xi32, #tpu.memory_space<vmem>> -> memref<32xi32, #tpu.memory_space<vmem>>
    %dma_wait3A_251 = arith.constant 0 : i32
    %dma_wait3A_252 = arith.constant 0 : i32
    %dma_wait3A_253 = tpu.memref_slice %arg2[%dma_wait3A_251, %dma_wait3A_252] : memref<1000x1024xf32, #tpu.memory_space<hbm>> -> memref<1000x1024xf32, #tpu.memory_space<hbm>>
    tpu.wait_indirect_dma semaphore(%arg17 : memref<!tpu.dma_semaphore, #tpu.memory_space<semaphore_mem>>) src(%dma_wait3A_253 : memref<1000x1024xf32, #tpu.memory_space<hbm>>) dst(%dma_wait3A_248 : memref<32x1024xf32, #tpu.memory_space<vmem>>)
    %add3A_254 = arith.constant 1568 : i32
    %add3A_255 = arith.addi %mul3A_2, %add3A_254 : i32
    %dma_start3A_256 = arith.constant 1 : i32
    %dma_start3A_257 = arith.constant 0 : i32
    %dma_start3A_258 = arith.constant 0 : i32
    %dma_start3A_259 = tpu.memref_slice %arg14[%dma_start3A_256, %dma_start3A_257, %dma_start3A_258] : memref<2x32x1024xf32, #tpu.memory_space<vmem>> -> memref<1x32x1024xf32, #tpu.memory_space<vmem>>
    %dma_start3A_260 = tpu.memref_squeeze %dma_start3A_259 : memref<1x32x1024xf32, #tpu.memory_space<vmem>> -> memref<32x1024xf32, #tpu.memory_space<vmem>>
    %dma_start3A_261 = arith.constant 0 : i32
    %dma_start3A_262 = tpu.memref_slice %arg7[%add3A_255, %dma_start3A_261] : memref<51200x1024xf32, #tpu.memory_space<hbm>> -> memref<32x1024xf32, #tpu.memory_space<hbm>>
    %dma_start3A_263 = arith.constant 0 : i32
    %dma_start3A_264 = tpu.memref_slice %arg7[%add3A_255, %dma_start3A_263] : memref<51200x1024xf32, #tpu.memory_space<hbm>> -> memref<32x1024xf32, #tpu.memory_space<hbm>>
    %dma_start3A_265 = arith.constant 0 : i32
    %dma_start3A_266 = arith.constant 0 : i32
    %dma_start3A_267 = tpu.memref_slice %arg14[%dma_start3A_256, %dma_start3A_265, %dma_start3A_266] : memref<2x32x1024xf32, #tpu.memory_space<vmem>> -> memref<1x32x1024xf32, #tpu.memory_space<vmem>>
    %dma_start3A_268 = tpu.memref_squeeze %dma_start3A_267 : memref<1x32x1024xf32, #tpu.memory_space<vmem>> -> memref<32x1024xf32, #tpu.memory_space<vmem>>
    tpu.enqueue_dma source(%dma_start3A_268 : memref<32x1024xf32, #tpu.memory_space<vmem>>) target(%dma_start3A_264 : memref<32x1024xf32, #tpu.memory_space<hbm>>) target_semaphore(%arg19 : memref<!tpu.dma_semaphore, #tpu.memory_space<semaphore_mem>>)
    %get3A_269 = arith.constant 1568 : index
    %get3A_270 = tpu.vector_load %arg9[%get3A_269] {strides = array<i32>} : memref<1600xi32, #tpu.memory_space<vmem>>, vector<16xi32>,
    %gather3A_271 = tpu.vector_load_idx %arg11[%get3A_270] : memref<1000xf32, #tpu.memory_space<vmem>>[vector<16xi32>], vector<16xf32>,
    %get3A_272 = arith.constant 0 : index
    %get3A_273 = tpu.vector_load %arg13[%get3A_272] {strides = array<i32>} : memref<16xf32, #tpu.memory_space<vmem>>, vector<16xf32>,
    %get3A_274 = arith.constant 1568 : index
    %get3A_275 = tpu.vector_load %arg12[%get3A_274] {strides = array<i32>} : memref<1600xf32, #tpu.memory_space<vmem>>, vector<16xf32>,
    %sub3A_276 = arith.subf %gather3A_271, %get3A_275 : vector<16xf32>
    %add3A_277 = arith.addf %get3A_273, %sub3A_276 : vector<16xf32>
    %swap3A_278 = arith.constant 0 : index
    %swap3A_279 = tpu.vector_load %arg13[%swap3A_278] {strides = array<i32>} : memref<16xf32, #tpu.memory_space<vmem>>, vector<16xf32>,
    tpu.vector_store %arg13[%swap3A_278], %add3A_277 {strides = array<i32>} : memref<16xf32, #tpu.memory_space<vmem>>, vector<16xf32>,
    %get3A_280 = arith.constant 1584 : index
    %get3A_281 = tpu.vector_load %arg9[%get3A_280] {strides = array<i32>} : memref<1600xi32, #tpu.memory_space<vmem>>, vector<16xi32>,
    %gather3A_282 = tpu.vector_load_idx %arg11[%get3A_281] : memref<1000xf32, #tpu.memory_space<vmem>>[vector<16xi32>], vector<16xf32>,
    %get3A_283 = arith.constant 0 : index
    %get3A_284 = tpu.vector_load %arg13[%get3A_283] {strides = array<i32>} : memref<16xf32, #tpu.memory_space<vmem>>, vector<16xf32>,
    %get3A_285 = arith.constant 1584 : index
    %get3A_286 = tpu.vector_load %arg12[%get3A_285] {strides = array<i32>} : memref<1600xf32, #tpu.memory_space<vmem>>, vector<16xf32>,
    %sub3A_287 = arith.subf %gather3A_282, %get3A_286 : vector<16xf32>
    %add3A_288 = arith.addf %get3A_284, %sub3A_287 : vector<16xf32>
    %swap3A_289 = arith.constant 0 : index
    %swap3A_290 = tpu.vector_load %arg13[%swap3A_289] {strides = array<i32>} : memref<16xf32, #tpu.memory_space<vmem>>, vector<16xf32>,
    tpu.vector_store %arg13[%swap3A_289], %add3A_288 {strides = array<i32>} : memref<16xf32, #tpu.memory_space<vmem>>, vector<16xf32>,
    %add3A_291 = arith.constant 1568 : i32
    %add3A_292 = arith.addi %mul3A_2, %add3A_291 : i32
    %dma_wait3A_293 = arith.constant 1 : i32
    %dma_wait3A_294 = arith.constant 0 : i32
    %dma_wait3A_295 = arith.constant 0 : i32
    %dma_wait3A_296 = tpu.memref_slice %arg14[%dma_wait3A_293, %dma_wait3A_294, %dma_wait3A_295] : memref<2x32x1024xf32, #tpu.memory_space<vmem>> -> memref<1x32x1024xf32, #tpu.memory_space<vmem>>
    %dma_wait3A_297 = tpu.memref_squeeze %dma_wait3A_296 : memref<1x32x1024xf32, #tpu.memory_space<vmem>> -> memref<32x1024xf32, #tpu.memory_space<vmem>>
    %dma_wait3A_298 = arith.constant 0 : i32
    %dma_wait3A_299 = tpu.memref_slice %arg7[%add3A_292, %dma_wait3A_298] : memref<51200x1024xf32, #tpu.memory_space<hbm>> -> memref<32x1024xf32, #tpu.memory_space<hbm>>
    %dma_wait3A_300 = arith.constant 0 : i32
    %dma_wait3A_301 = tpu.memref_slice %arg7[%add3A_292, %dma_wait3A_300] : memref<51200x1024xf32, #tpu.memory_space<hbm>> -> memref<32x1024xf32, #tpu.memory_space<hbm>>
    %dma_wait3A_302 = arith.constant 0 : i32
    %dma_wait3A_303 = arith.constant 0 : i32
    %dma_wait3A_304 = tpu.memref_slice %arg14[%dma_wait3A_293, %dma_wait3A_302, %dma_wait3A_303] : memref<2x32x1024xf32, #tpu.memory_space<vmem>> -> memref<1x32x1024xf32, #tpu.memory_space<vmem>>
    %dma_wait3A_305 = tpu.memref_squeeze %dma_wait3A_304 : memref<1x32x1024xf32, #tpu.memory_space<vmem>> -> memref<32x1024xf32, #tpu.memory_space<vmem>>
    tpu.wait_dma2 semaphore(%arg19 : memref<!tpu.dma_semaphore, #tpu.memory_space<semaphore_mem>>) src(%dma_wait3A_305 : memref<32x1024xf32, #tpu.memory_space<vmem>>) dst(%dma_wait3A_301 : memref<32x1024xf32, #tpu.memory_space<hbm>>)
    "tpu.region"() ({
      %run_scoped3A = tpu.sem_alloc : memref<!tpu.dma_semaphore, #tpu.memory_space<semaphore_mem>>
      %dma_start3A_306 = arith.constant 0 : i32
      %dma_start3A_307 = tpu.memref_slice %arg8[%add3A, %dma_start3A_306] : memref<32x16xf32, #tpu.memory_space<hbm>> -> memref<1x16xf32, #tpu.memory_space<hbm>>
      %dma_start3A_308 = tpu.memref_squeeze %dma_start3A_307 : memref<1x16xf32, #tpu.memory_space<hbm>> -> memref<16xf32, #tpu.memory_space<hbm>>
      %dma_start3A_309 = arith.constant 0 : i32
      %dma_start3A_310 = tpu.memref_slice %arg8[%add3A, %dma_start3A_309] : memref<32x16xf32, #tpu.memory_space<hbm>> -> memref<1x16xf32, #tpu.memory_space<hbm>>
      %dma_start3A_311 = tpu.memref_squeeze %dma_start3A_310 : memref<1x16xf32, #tpu.memory_space<hbm>> -> memref<16xf32, #tpu.memory_space<hbm>>
      tpu.enqueue_dma source(%arg13 : memref<16xf32, #tpu.memory_space<vmem>>) target(%dma_start3A_311 : memref<16xf32, #tpu.memory_space<hbm>>) target_semaphore(%run_scoped3A : memref<!tpu.dma_semaphore, #tpu.memory_space<semaphore_mem>>)
      %dma_wait3A_312 = arith.constant 0 : i32
      %dma_wait3A_313 = tpu.memref_slice %arg8[%add3A, %dma_wait3A_312] : memref<32x16xf32, #tpu.memory_space<hbm>> -> memref<1x16xf32, #tpu.memory_space<hbm>>
      %dma_wait3A_314 = tpu.memref_squeeze %dma_wait3A_313 : memref<1x16xf32, #tpu.memory_space<hbm>> -> memref<16xf32, #tpu.memory_space<hbm>>
      %dma_wait3A_315 = arith.constant 0 : i32
      %dma_wait3A_316 = tpu.memref_slice %arg8[%add3A, %dma_wait3A_315] : memref<32x16xf32, #tpu.memory_space<hbm>> -> memref<1x16xf32, #tpu.memory_space<hbm>>
      %dma_wait3A_317 = tpu.memref_squeeze %dma_wait3A_316 : memref<1x16xf32, #tpu.memory_space<hbm>> -> memref<16xf32, #tpu.memory_space<hbm>>
      tpu.wait_dma2 semaphore(%run_scoped3A : memref<!tpu.dma_semaphore, #tpu.memory_space<semaphore_mem>>) src(%arg13 : memref<16xf32, #tpu.memory_space<vmem>>) dst(%dma_wait3A_317 : memref<16xf32, #tpu.memory_space<hbm>>)
      tpu.yield
    }) : () -> ()
    return
  }
}

module attributes {stable_mosaic.version = 14 : i64} {
  func.func @_lse_body(%arg0: memref<1000x1000xf32, #tpu.memory_space<vmem>>, %arg1: memref<1000x1xf32, #tpu.memory_space<vmem>>) attributes {dimension_semantics = [], scalar_prefetch = 0 : i64, scratch_operands = 0 : i64, tpu.core_type = #tpu.core_type<tc>} {
    %get3A = arith.constant 0 : index
    %get3A_0 = arith.constant 0 : index
    %get3A_1 = vector.load %arg0[%get3A, %get3A_0] : memref<1000x1000xf32, #tpu.memory_space<vmem>>, vector<1000x1000xf32>
    %reduce_max3A = arith.constant dense<0xFF800000> : vector<1000xf32>
    %reduce_max3A_2 = vector.multi_reduction <maximumf>, %get3A_1, %reduce_max3A [1] : vector<1000x1000xf32> to vector<1000xf32>
    %broadcast_in_dim3A = vector.shape_cast %reduce_max3A_2 : vector<1000xf32> to vector<1000x1xf32>
    %sub3A = vector.broadcast %broadcast_in_dim3A : vector<1000x1xf32> to vector<1000x1000xf32>
    %sub3A_3 = arith.subf %get3A_1, %sub3A : vector<1000x1000xf32>
    %exp3A = math.exp %sub3A_3 : vector<1000x1000xf32>
    %reduce_sum3A = arith.constant dense<0.000000e+00> : vector<1000xf32>
    %reduce_sum3A_4 = vector.multi_reduction <add>, %exp3A, %reduce_sum3A [1] : vector<1000x1000xf32> to vector<1000xf32>
    %broadcast_in_dim3A_5 = vector.shape_cast %reduce_sum3A_4 : vector<1000xf32> to vector<1000x1xf32>
    %log3A = math.log %broadcast_in_dim3A_5 : vector<1000x1xf32>
    %add3A = arith.addf %log3A, %broadcast_in_dim3A : vector<1000x1xf32>
    %swap3A = arith.constant 0 : index
    %swap3A_6 = arith.constant 0 : index
    %swap3A_7 = vector.load %arg1[%swap3A, %swap3A_6] : memref<1000x1xf32, #tpu.memory_space<vmem>>, vector<1000x1xf32>
    tpu.vector_store %arg1[%swap3A, %swap3A_6], %add3A {strides = array<i32>} : memref<1000x1xf32, #tpu.memory_space<vmem>>, vector<1000x1xf32>,
    return
  }
}

module attributes {stable_mosaic.version = 14 : i64} {
  func.func @_loss_body(%arg0: memref<32x16xf32, #tpu.memory_space<vmem>>, %arg1: memref<1x1xf32, #tpu.memory_space<vmem>>) attributes {dimension_semantics = [], scalar_prefetch = 0 : i64, scratch_operands = 0 : i64, tpu.core_type = #tpu.core_type<tc>} {
    %get3A = arith.constant 0 : index
    %get3A_0 = arith.constant 0 : index
    %get3A_1 = vector.load %arg0[%get3A, %get3A_0] : memref<32x16xf32, #tpu.memory_space<vmem>>, vector<32x16xf32>
    %reduce_sum3A = vector.shape_cast %get3A_1 : vector<32x16xf32> to vector<1x32x16xf32>
    %reduce_sum3A_2 = arith.constant dense<0.000000e+00> : vector<1xf32>
    %reduce_sum3A_3 = vector.multi_reduction <add>, %reduce_sum3A, %reduce_sum3A_2 [1, 2] : vector<1x32x16xf32> to vector<1xf32>
    %reduce_sum3A_4 = vector.shape_cast %reduce_sum3A_3 : vector<1xf32> to vector<1x1x1xf32>
    %reduce_sum3A_5 = vector.extract %reduce_sum3A_4[0, 0, 0] : f32 from vector<1x1x1xf32>
    %reshape3A = vector.broadcast %reduce_sum3A_5 : f32 to vector<1x1xf32>
    %mul3A = arith.constant 1.95312496E-5 : f32
    %mul3A_6 = vector.broadcast %mul3A : f32 to vector<1x1xf32>
    %mul3A_7 = arith.mulf %reshape3A, %mul3A_6 : vector<1x1xf32>
    %swap3A = arith.constant 0 : index
    %swap3A_8 = arith.constant 0 : index
    %swap3A_9 = vector.load %arg1[%swap3A, %swap3A_8] : memref<1x1xf32, #tpu.memory_space<vmem>>, vector<1x1xf32>
    tpu.vector_store %arg1[%swap3A, %swap3A_8], %mul3A_7 {strides = array<i32>} : memref<1x1xf32, #tpu.memory_space<vmem>>, vector<1x1xf32>,
    return
  }
}

</mosaic_0001>

<sc_bundles>
// kernel: kernel.5.cloned.1.call-start
scs
__scs_entry_jumppad:
0x0: {  	(pc) =	sbr.rel $0x88, $3  }
0x1: {  	(tag) =	ssettag $0x0;
	lr =	simm.s32 $0x1  }
0x2: {  	[smem:$0x3F9E] =	sst lr;
	_ =	strace $0xD0000000  }
0x3: {  	_ = 	snop  }
0x4: {  	_ = 	snop  }
0x5: {  	_ = 	snop  }
0x6: {  	_ = 	snop  }
0x7: {  	_ = 	snop  }
__scs_overlays_trampoline_lowered:
0x8: {  	[smem:$0x3FAD] =	sst s0  }
0x9: {  	[smem:$0x3FAE] =	sst s1  }
0xa: {  	[smem:$0x3FAF] =	sst s2  }
0xb: {  	[smem:$0x3FB0] =	sst s3  }
0xc: {  	[smem:$0x3FB1] =	sst s4  }
0xd: {  	[smem:$0x3FB2] =	sst s5  }
0xe: {  	[smem:$0x3FB3] =	sst s6  }
0xf: {  	[smem:$0x3FB4] =	sst s7  }
0x10: {  	[smem:$0x3FB5] =	sst s8  }
0x11: {  	[smem:$0x3FB6] =	sst s9;
	s0 =	simm.s32 @!p0 $0x0  }
0x12: {  	s1 =	sld [smem:$0x3F9C];
	s0 =	simm.s32 @p0 $0x1  }
0x13: {  	[smem:$0x3FB7] =	sst s0;
	s0 =	simm.s32 @!p1 $0x0  }
0x14: {  	s2 =	sld [smem:$0x3F9B];
	s0 =	simm.s32 @p1 $0x1  }
0x15: {  	[smem:$0x3FB8] =	sst s0;
	s0 =	simm.s32 @!p2 $0x0  }
0x16: {  	s3 =	sld [smem:$0x3FDB];
	s0 =	simm.s32 @p2 $0x1  }
0x17: {  	s4 =	simm.s32 $0x1BF5;
	[smem:$0x3FBA] =	sst s0  }
0x18: {  	s0 =	sld [smem:$0x3F9D];
	_ =	swait.ge [sflag:s4], $0x0  }
0x19: {  	s7 =	sld [smem:$0x3F9E]  }
0x1a: {  	s8 =	sadd.s32 $0xFFFFE003, lr  }
0x1b: {  	s9 =	sadd.s32 $0xFFFFFEF7, lr;
	s5 =	simm.s32 $0xFFFFFFFF;
	p2 =	slt.u32 s8, $0xFFFFF086  }
0x1c: {  	p1 =	slt.u32 s9, $0xF7A;
	s5 =	simm.s32 @!p2 $0x0  }
0x1d: {  	s5 =	simm.s32 @p1 $0x1;
	p0 =	seq.s32 s7, s2  }
0x1e: {  	s7 =	smul.u32 @!p0 $0xF7A, s2;
	p2 =	seq.s32 @!p0 s5, $0x0  }
0x1f: {  	s9 =	smul.u32 $0xF7A, s1;
	s8 =	simm.s32 @!p0 $0x1BF5;
	p2 =	por !p2, p0  }
0x20: {  	[sflag:s8] =	ssyncset.s32 @!p0 $0xFFFFF086;
	s6 =	sadd.s32 @!p0 s3, s7;
	s7 =	simm.s32 @!p0 $0x108  }
0x21: {  	s3 =	sadd.s32 s3, s9;
	s6 =	sadd.s32 @!p0 $0x88, s6;
	s7 =	simm.s32 @p2 $0x1082  }
0x22: {  	[simem:s7], [sflag:s8] =	dma.local @!p0 [hbm:s6], $0xF7A  }
0x23: {  	s9 =	sor.u32 $0xD0000000, s2;
	s6 =	simm.s32 $0x108;
	_ =	swait.ge @!p0 [sflag:s8], $0x0  }
0x24: {  	s3 =	sadd.s32 $0x88, s3;
	s6 =	simm.s32 @!p1 $0x1082;
	[sflag:s4] =	ssyncset.s32 $0xFFFFF086  }
0x25: {  	[simem:s6], [sflag:s4] =	dma.local [hbm:s3], $0xF7A  }
0x26: {  	[smem:$0x3F9E] =	sst s1;
	(tag) =	ssettag s2;
	_ =	strace s9  }
0x27: {  	s1 =	sld [smem:$0x3FAE]  }
0x28: {  	s2 =	sld [smem:$0x3FAF]  }
0x29: {  	s4 =	sld [smem:$0x3FB1]  }
0x2a: {  	p0 =	seq.s32 s5, $0x0;
	s5 =	sld [smem:$0x3FB2]  }
0x2b: {  	s6 =	sld [smem:$0x3FB3]  }
0x2c: {  	s7 =	sld [smem:$0x3FB4]  }
0x2d: {  	s3 =	simm.s32 $0x108;
	s8 =	sld [smem:$0x3FB5]  }
0x2e: {  	s3 =	simm.s32 @!p0 $0x1082;
	s9 =	sld [smem:$0x3FB6]  }
0x2f: {  	lr =	sadd.s32 s0, s3;
	s0 =	sld [smem:$0x3FAD]  }
0x30: {  	s3 =	sld [smem:$0x3FB0]  }
0x31: {  	[smem:$0x3FB9] =	sst s10  }
0x32: {  	s10 =	sld [smem:$0x3FB7];
	_ =	sdelay $0x3  }
0x33: {  	p0 =	seq.s32 s10, $0x1;
	s10 =	sld [smem:$0x3FB9];
	_ =	sdelay $0x3  }
0x34: {  	[smem:$0x3FB9] =	sst s10  }
0x35: {  	s10 =	sld [smem:$0x3FB8];
	_ =	sdelay $0x3  }
0x36: {  	p1 =	seq.s32 s10, $0x1;
	s10 =	sld [smem:$0x3FB9];
	_ =	sdelay $0x3  }
0x37: {  	[smem:$0x3FB9] =	sst s10  }
0x38: {  	s10 =	sld [smem:$0x3FBA]  }
0x39: {  	_ = 	snop;
	(pc) =	sbr.ind lr, $3  }
0x3a: {  	_ = 	snop  }
0x3b: {  	_ = 	snop  }
0x3c: {  	p2 =	seq.s32 s10, $0x1;
	s10 =	sld [smem:$0x3FB9]  }
0x3d: {  	_ =	shalt  }
0x3e: {  	_ =	shalt  }
0x3f: {  	_ =	shalt  }
0x40: {  	_ =	shalt  }
0x41: {  	_ =	shalt  }
0x42: {  	_ =	shalt  }
0x43: {  	_ =	shalt  }
0x44: {  	_ =	shalt  }
0x45: {  	_ =	shalt  }
0x46: {  	_ =	shalt  }
0x47: {  	_ =	shalt  }
0x48: {  	_ =	shalt  }
0x49: {  	_ =	shalt  }
0x4a: {  	_ =	shalt  }
0x4b: {  	_ =	shalt  }
0x4c: {  	_ =	shalt  }
0x4d: {  	_ =	shalt  }
0x4e: {  	_ =	shalt  }
0x4f: {  	_ =	shalt  }
0x50: {  	_ =	shalt  }
0x51: {  	_ =	shalt  }
0x52: {  	_ =	shalt  }
0x53: {  	_ =	shalt  }
0x54: {  	_ =	shalt  }
0x55: {  	_ =	shalt  }
0x56: {  	_ =	shalt  }
0x57: {  	_ =	shalt  }
0x58: {  	_ =	shalt  }
0x59: {  	_ =	shalt  }
0x5a: {  	_ =	shalt  }
0x5b: {  	_ =	shalt  }
0x5c: {  	_ =	shalt  }
0x5d: {  	_ =	shalt  }
0x5e: {  	_ =	shalt  }
0x5f: {  	_ =	shalt  }
0x60: {  	_ =	shalt  }
0x61: {  	_ =	shalt  }
0x62: {  	_ =	shalt  }
0x63: {  	_ =	shalt  }
0x64: {  	_ =	shalt  }
0x65: {  	_ =	shalt  }
0x66: {  	_ =	shalt  }
0x67: {  	_ =	shalt  }
0x68: {  	_ =	shalt  }
0x69: {  	_ =	shalt  }
0x6a: {  	_ =	shalt  }
0x6b: {  	_ =	shalt  }
0x6c: {  	_ =	shalt  }
0x6d: {  	_ =	shalt  }
0x6e: {  	_ =	shalt  }
0x6f: {  	_ =	shalt  }
0x70: {  	_ =	shalt  }
0x71: {  	_ =	shalt  }
0x72: {  	_ =	shalt  }
0x73: {  	_ =	shalt  }
0x74: {  	_ =	shalt  }
0x75: {  	_ =	shalt  }
0x76: {  	_ =	shalt  }
0x77: {  	_ =	shalt  }
0x78: {  	_ =	shalt  }
0x79: {  	_ =	shalt  }
0x7a: {  	_ =	shalt  }
0x7b: {  	_ =	shalt  }
0x7c: {  	_ =	shalt  }
0x7d: {  	_ =	shalt  }
0x7e: {  	_ =	shalt  }
0x7f: {  	_ =	shalt  }
0x80: {  	_ =	shalt  }
0x81: {  	_ =	shalt  }
0x82: {  	_ =	shalt  }
0x83: {  	_ =	shalt  }
0x84: {  	_ =	shalt  }
0x85: {  	_ =	shalt  }
0x86: {  	_ =	shalt  }
0x87: {  	_ =	shalt  }
.Lfunc_end0:
.L_simem_size_0:
called_computation.1_lowered:
.L_overlay_start_0:
0x88: {  	s2 =	sld [smem:$0x3FD9]  }
0x89: {  	s3 =	sld [smem:$0x3FFE];
	_ =	sdelay $0x1  }
0x8a: {  	s1 =	srdreg.scid  }
0x8b: {  	s0 =	sand.u32 $0x1, s1  }
0x8c: {  	s14 =	sshll.u32 s0, $0xA;
	s2 =	sadd.s32 s3, s2  }
0x8d: {  	s2 =	sadd.s32 s2, s14  }
0x8e: {  	[smem:$0x3FC5] =	sst s2  }
0x8f: {  	_ = 	snop  }
0x90: {  	s2 =	sld [smem:$0x3FD0];
	_ =	sdelay $0x2  }
0x91: {  	s15 =	simm.s32 $0xA;
	s4 =	simm.s32 $0x10  }
0x92: {  	[smem:s4], [sflag:s15] =	dma.local [hbm:s2], $0x1  }
0x93: {  	_ =	swait.eq [sflag:s15], $0x1  }
0x94: {  	[sflag:s15] =	ssyncset.done $0x0  }
0x95: {  	[sflag:s15] =	ssyncadd.s32 $0xFFFFFFFF  }
0x96: {  	s16 =	sld [smem:$0x10];
	(tm) =	ssettm $0x1  }
0x97: {  	s17 =	sld [smem:$0x3FFB];
	_ =	sdelay $0x3  }
0x98: {  	_ =	strace s17  }
0x99: {  	s3 =	sld [smem:$0x3FFC];
	_ =	sdelay $0x3  }
0x9a: {  	_ =	strace s3  }
0x9b: {  	s3 =	sld [smem:$0x3FFD];
	_ =	sdelay $0x3  }
0x9c: {  	_ =	strace s3  }
0x9d: {  	_ =	strace $0x8FFFFFFF  }
0x9e: {  	s18 =	sld [smem:$0x3FDB];
	_ =	sdelay $0x1  }
0x9f: {  	s19 =	simm.s32 $_scs_section_size  }
0xa0: {  	s5 =	simm.s32 $_size__tile_overlayer_lowered;
	s6 =	simm.s32 $_tile_overlayer_lowered  }
0xa1: {  	s22 =	simm.s32 $0x1BFF;
	s21 =	sshll.u32 s6, $0x1;
	s3 =	sadd.s32 s19, s18  }
0xa2: {  	s7 =	simm.s32 $0x0;
	s20 =	sshll.u32 s5, $0x1;
	s5 =	sadd.s32 s21, s3  }
0xa3: {  	[timem:s7], [sflag:s22] =	dma.local [hbm:s5], s20  }
0xa4: {  	_ =	swait.ge [sflag:s22], s20  }
0xa5: {  	s4 =	ssub.s32 $0x0, s20;
	[sflag:s22] =	ssyncset.done $0x0  }
0xa6: {  	[sflag:s22] =	ssyncadd.s32 s4;
	_ =	sdelay $0x1  }
0xa7: {  	s23 =	simm.s32 $0x1B8B  }
0xa8: {  	_ =	swait.ge [sflag:s23], $0x1  }
0xa9: {  	[sflag:s23] =	ssyncset.done $0x0  }
0xaa: {  	s25 =	simm.s32 $0x1B8E;
	s24 =	sld [smem:$0x3FFE];
	[sflag:s23] =	ssyncadd.s32 $0xFFFFFFFF  }
0xab: {  	s26 =	simm.s32 $execute0_lowered;
	[smem:$0x3FD2] =	sst s25  }
0xac: {  	s5 =	sshll.u32 s26, $0x1;
	_ =	strace $0x80000046;
	[dreg:$0x1] =	wrdreg $0xFFFFFFFF  }
0xad: {  	s28 =	simm.s32 $_size_execute0_lowered;
	s3 =	sadd.s32 s3, s5;
	[dreg:$0x0] =	wrdreg $0x0  }
0xae: {  	s5 =	sshll.u32 s28, $0x1;
	[dreg:$0x2] =	wrdreg s3  }
0xaf: {  	[dreg:$0x3] =	wrdreg s5  }
0xb0: {  	[dreg:$0x4] =	wrdreg $0xC0  }
0xb1: {  	_ =	task [dreg:s7], $0x5FFFF  }
0xb2: {  	[dreg:$0x1] =	wrdreg $0xFFFFFFFF  }
0xb3: {  	[dreg:$0x0] =	wrdreg $0x60  }
0xb4: {  	[dreg:$0x2] =	wrdreg s16  }
0xb5: {  	[dreg:$0x3] =	wrdreg s24  }
0xb6: {  	[dreg:$0x4] =	wrdreg $0x9  }
0xb7: {  	_ =	task.clear_ibuf [dreg:s7], $0x5FFFF;
	_ =	strace $0x90000046  }
0xb8: {  	s29 =	simm.s32 $0x9;
	_ =	strace $0x80000048  }
0xb9: {  	_ =	swait.ge [sflag:s29], $0x1  }
0xba: {  	[sflag:s29] =	ssyncadd.s32 $0xFFFFFFFF  }
0xbb: {  	_ =	strace $0x90000048  }
0xbc: {  	_ =	sfence  }
0xbd: {  	s30 =	sld [smem:$0x0];
	_ =	sdelay $0x2  }
0xbe: {  	s31 =	sshll.u32 s1, $0xD;
	s1 =	sshrl.u32 s1, $0x2  }
0xbf: {  	s3 =	sand.u32 $0x4000, s31;
	s1 =	sadd.s32 s1, s30  }
0xc0: {  	s0 =	sor.u32 s3, s0;
	s1 =	sshll.u32 s1, $0x11  }
0xc1: {  	s0 =	sor.u32 s1, s0  }
0xc2: {  	s0 =	sadd.s32 $0x8F2B, s0  }
0xc3: {  	[sflag:s0] =	ssyncadd.remote.s32 $0x1  }
0xc4: {  	_ =	sfence.sel $0xFFFF  }
0xc5: {  	[dreg:$0x0] =	wrdreg $0xFFFFFFFF;
	(pc) =	sbr.abs _section_cstart, $3  }
0xc6: {  	[dreg:$0x1] =	wrdreg $0xFFFFFFFF  }
0xc7: {  	_ =	task.clear_ibuf [dreg:s7], $0x2FFFF;
	_ =	strace $0x9FFFFFFF  }
0xc8: {  	(tm) =	ssettm $0x7FFFFFFF  }
0xc9: {  	_ =	shalt  }
tec
execute0_lowered:
.L_overlay_start_1:
0x0: {  	(tag) =	ssettag $0x1  }
0x1: {  	s0 =	srdreg.scid  }
0x2: {  	s10 =	stileid.u32;
	s2 =	rddreg [dreg:$0x0]  }
0x3: {  	s4 =	rddreg [dreg:$0x1];
	s3 =	simm.s32 $0x0;
	s18 =	simm.s32 $0xD00  }
0x4: {  	s20 =	simm.s32 $0x1800;
	s30 =	simm.s32 $0x2;
	s31 =	simm.s32 $0x4  }
0x5: {  	s12 =	simm.s32 $0xA000;
	s13 =	simm.s32 $0xA800;
	s14 =	simm.s32 $0xB000  }
0x6: {  	s15 =	simm.s32 $0xB800;
	s16 =	simm.s32 $0xC000;
	s19 =	simm.s32 $0xC800  }
0x7: {  	s28 =	simm.s32 $0x10800;
	s29 =	simm.s32 $0x11000;
	s0 =	sand.u32 $0x1, s0  }
0x8: {  	s1 =	sshll.u32 s10, $0x1;
	[smem:$0x7FF] =	sst s3;
	s6 =	sadd.s32 $0x1200, s4  }
0x9: {  	s21 =	sadd.s32 $0x21600, s4;
	s7 =	sadd.s32 $0x23400, s4;
	s24 =	smul.u32 $0x64000, s10  }
0xa: {  	s10 =	sadd.s32 $0x300, s2;
	s1 =	sor.u32 s0, s1;
	_ =	strace $0x80000047  }
0xb: {  	[dreg:$0x3] =	wrdreg s6;
	s22 =	ssub.s32 $0x2, s0;
	s0 =	smul.u32 $0x32000, s0  }
0xc: {  	[dreg:$0x4] =	wrdreg s21;
	s21 =	simm.s32 $0xD800;
	s5 =	smul.u32 $0x640, s1  }
0xd: {  	s8 =	sshll.u32 s1, $0x4;
	s9 =	sshrl.u32 s22, $0x1;
	s1 =	smul.u32 $0x190000, s1  }
0xe: {  	s25 =	sadd.s32 s24, s7;
	s24 =	simm.s32 $0xF000;
	s6 =	ssub.s32 s22, s9  }
0xf: {  	s9 =	sadd.s32 $0x200, s2;
	s0 =	sadd.s32 s0, s25;
	s22 =	simm.s32 $0xE000  }
0x10: {  	s25 =	simm.s32 $0xF800;
	s5 =	sshrl.u32 s5, $0x3;
	s1 =	sshrl.u32 s1, $0x3  }
0x11: {  	s26 =	smax.u32 s6, $0x1;
	[dreg:$0xb] =	wrdreg s0;
	s5 =	sadd.s32 s5, s4  }
0x12: {  	s6 =	simm.s32 $0x6;
	[dreg:$0xa] =	wrdreg s26;
	s23 =	sadd.s32 $0x1FC00, s5  }
0x13: {  	s1 =	sadd.s32 s7, s1;
	s5 =	sadd.s32 $0x21800, s5;
	[dreg:$0x5] =	wrdreg s23  }
0x14: {  	s0 =	simm.s32 $0x5;
	s11 =	sadd.s32 $0x30000, s1;
	[dreg:$0x6] =	wrdreg s5  }
0x15: {  	s4 =	sadd.s32 s8, s4;
	s1 =	sadd.s32 $0x31000, s1;
	[dreg:$0x7] =	wrdreg s11  }
0x16: {  	v2 =	vlaneseq.u32;
	s8 =	sadd.s32 $0x100, s2;
	s4 =	sadd.s32 $0x23200, s4;
	[dreg:$0x8] =	wrdreg s1  }
0x17: {  	vm0 =	vmmov $0xffff;
	v3 =	vimm.f32 $0.0e+00;
	v1 =	vshrl.u32 v2, $0x3;
	s26 =	simm.s32 $0x10000;
	[dreg:$0x9] =	wrdreg s4;
	s11 =	simm.s32 $0x9800  }
0x18: {  	v0 =	vand.u32 $0x7, v2;
	v2 =	vor.u32 $0x8, v2;
	v1 =	vmul.u32 $0x8, v1;
	s1 =	simm.s32 $0x3;
	s4 =	simm.s32 $0x0;
	s23 =	simm.s32 $0xE800  }
.LBB2_1:
0x19: {  	[dreg:$0xc] =	wrdreg s4  }
0x1a: {  	s5 =	rddreg [dreg:$0x5]  }
0x1b: {  	[tilespmem:s3], [sflag:$0x6] =	stream.linear.gather [hbm4b:s5+s3], $0x640, $0x38;
	[tilespmem:$0x11800] =	vst v63  }
0x1c: {  	_ =	swait.ge [sflag:s6], $0x640  }
0x1d: {  	[sflag:s6] =	ssyncset.done $0x0  }
0x1e: {  	s7 =	simm.s32 $0x680;
	s17 =	rddreg [dreg:$0x6];
	[sflag:s6] =	ssyncadd.s32 $0xFFFFF9C0  }
0x1f: {  	[tilespmem:s7], [sflag:$0x6] =	stream.linear.gather [hbm4b:s17+s3], $0x640, $0x38;
	[tilespmem:$0x11800] =	vst v63  }
0x20: {  	_ =	swait.ge [sflag:s6], $0x640  }
0x21: {  	[sflag:s6] =	ssyncset.done $0x0  }
0x22: {  	s4 =	rddreg [dreg:$0x4];
	[sflag:s6] =	ssyncadd.s32 $0xFFFFF9C0  }
0x23: {  	[tilespmem:s18], [sflag:$0x6] =	stream.linear.gather [hbm4b:s4+s3], $0x400, $0x38;
	[tilespmem:$0x11800] =	vst v63  }
0x24: {  	_ =	swait.ge [sflag:s6], $0x400  }
0x25: {  	s17 =	simm.s32 $0x1100;
	[sflag:s6] =	ssyncset.done $0x0  }
0x26: {  	s5 =	rddreg [dreg:$0x3];
	[sflag:s6] =	ssyncadd.s32 $0xFFFFFC00;
	s6 =	simm.s32 $0x80  }
0x27: {  	[tilespmem:s17], [sflag:$0x1] =	stream.indirect.gather [hbm4b:s5+s6], $0x1, s7, s6, $0xb8;
	[tilespmem:$0x11800] =	vst v63  }
0x28: {  	s4 =	simm.s32 $0x1180;
	s17 =	simm.s32 $0x700  }
0x29: {  	[tilespmem:s4], [sflag:$0x1] =	stream.indirect.gather [hbm4b:s5+s6], $0x1, s17, s6, $0xb8;
	[tilespmem:$0x11800] =	vst v63  }
0x2a: {  	s17 =	simm.s32 $0x780;
	s4 =	simm.s32 $0x1200  }
0x2b: {  	[tilespmem:s4], [sflag:$0x1] =	stream.indirect.gather [hbm4b:s5+s6], $0x1, s17, s6, $0xb8;
	[tilespmem:$0x11800] =	vst v63  }
0x2c: {  	s17 =	simm.s32 $0x800;
	s4 =	simm.s32 $0x1280  }
0x2d: {  	[tilespmem:s4], [sflag:$0x1] =	stream.indirect.gather [hbm4b:s5+s6], $0x1, s17, s6, $0xb8;
	[tilespmem:$0x11800] =	vst v63  }
0x2e: {  	s17 =	simm.s32 $0x880;
	s4 =	simm.s32 $0x1300  }
0x2f: {  	[tilespmem:s4], [sflag:$0x1] =	stream.indirect.gather [hbm4b:s5+s6], $0x1, s17, s6, $0xb8;
	[tilespmem:$0x11800] =	vst v63  }
0x30: {  	s17 =	simm.s32 $0x900;
	s4 =	simm.s32 $0x1380  }
0x31: {  	[tilespmem:s4], [sflag:$0x1] =	stream.indirect.gather [hbm4b:s5+s6], $0x1, s17, s6, $0xb8;
	[tilespmem:$0x11800] =	vst v63  }
0x32: {  	s17 =	simm.s32 $0x980;
	s4 =	simm.s32 $0x1400  }
0x33: {  	[tilespmem:s4], [sflag:$0x1] =	stream.indirect.gather [hbm4b:s5+s6], $0x1, s17, s6, $0xb8;
	[tilespmem:$0x11800] =	vst v63  }
0x34: {  	s17 =	simm.s32 $0xA00;
	s4 =	simm.s32 $0x1480  }
0x35: {  	[tilespmem:s4], [sflag:$0x1] =	stream.indirect.gather [hbm4b:s5+s6], $0x1, s17, s6, $0xb8;
	[tilespmem:$0x11800] =	vst v63  }
0x36: {  	s17 =	simm.s32 $0xA80;
	s4 =	simm.s32 $0x1500  }
0x37: {  	[tilespmem:s4], [sflag:$0x1] =	stream.indirect.gather [hbm4b:s5+s6], $0x1, s17, s6, $0xb8;
	[tilespmem:$0x11800] =	vst v63  }
0x38: {  	s17 =	simm.s32 $0xB00;
	s4 =	simm.s32 $0x1580  }
0x39: {  	[tilespmem:s4], [sflag:$0x1] =	stream.indirect.gather [hbm4b:s5+s6], $0x1, s17, s6, $0xb8;
	[tilespmem:$0x11800] =	vst v63  }
0x3a: {  	s17 =	simm.s32 $0xB80;
	s4 =	simm.s32 $0x1600  }
0x3b: {  	[tilespmem:s4], [sflag:$0x1] =	stream.indirect.gather [hbm4b:s5+s6], $0x1, s17, s6, $0xb8;
	[tilespmem:$0x11800] =	vst v63  }
0x3c: {  	s17 =	simm.s32 $0xC00;
	s4 =	simm.s32 $0x1680  }
0x3d: {  	[tilespmem:s4], [sflag:$0x1] =	stream.indirect.gather [hbm4b:s5+s6], $0x1, s17, s6, $0xb8;
	[tilespmem:$0x11800] =	vst v63  }
0x3e: {  	s7 =	simm.s32 $0x40;
	s17 =	simm.s32 $0xC80;
	s4 =	simm.s32 $0x1700  }
0x3f: {  	[tilespmem:s4], [sflag:$0x1] =	stream.indirect.gather [hbm4b:s5+s7], $0x1, s17, s7, $0xb8;
	[tilespmem:$0x11800] =	vst v63  }
0x40: {  	v4 =	vld [tilespmem:$0x0];
	_ =	sdelay $0x4  }
0x41: {  	v5 =	vshll.u32 v4, $0x3  }
0x42: {  	v4 =	vand.u32 $0x7, v4;
	v5 =	vand.u32 $0xFFFFFFC0, v5  }
0x43: {  	v4 =	vor.u32 v4, v5  }
0x44: {  	v5 =	vperm.xlane v4, v0;
	_ =	sdelay $0x1  }
0x45: {  	v5 =	vadd.s32 v1, v5;
	_ =	sdelay $0x4  }
0x46: {  	[tilespmem:s20], [sflag:$0x2] =	stream.indirect_vreg.gather [hbm4b:s2+s3], $0x80, v5, vm0, $0xb8;
	[tilespmem:$0x11800] =	vst v63  }
0x47: {  	s5 =	simm.s32 $0x2000;
	v4 =	vperm.xlane v4, v2  }
0x48: {  	[tilespmem:s5], [sflag:$0x2] =	stream.indirect_vreg.gather [hbm4b:s8+s3], $0x80, v5, vm0, $0xb8;
	[tilespmem:$0x11800] =	vst v63  }
0x49: {  	s6 =	simm.s32 $0x2800;
	v4 =	vadd.s32 v1, v4  }
0x4a: {  	[tilespmem:s6], [sflag:$0x2] =	stream.indirect_vreg.gather [hbm4b:s9+s3], $0x80, v5, vm0, $0xb8;
	[tilespmem:$0x11800] =	vst v63  }
0x4b: {  	s7 =	simm.s32 $0x3000  }
0x4c: {  	[tilespmem:s7], [sflag:$0x2] =	stream.indirect_vreg.gather [hbm4b:s10+s3], $0x80, v5, vm0, $0xb8;
	[tilespmem:$0x11800] =	vst v63  }
0x4d: {  	s17 =	simm.s32 $0x3800  }
0x4e: {  	[tilespmem:s17], [sflag:$0x2] =	stream.indirect_vreg.gather [hbm4b:s2+s3], $0x80, v4, vm0, $0xb8;
	[tilespmem:$0x11800] =	vst v63  }
0x4f: {  	s5 =	simm.s32 $0x4000  }
0x50: {  	[tilespmem:s5], [sflag:$0x2] =	stream.indirect_vreg.gather [hbm4b:s8+s3], $0x80, v4, vm0, $0xb8;
	[tilespmem:$0x11800] =	vst v63  }
0x51: {  	s6 =	simm.s32 $0x4800  }
0x52: {  	[tilespmem:s6], [sflag:$0x2] =	stream.indirect_vreg.gather [hbm4b:s9+s3], $0x80, v4, vm0, $0xb8;
	[tilespmem:$0x11800] =	vst v63  }
0x53: {  	s7 =	simm.s32 $0x5000  }
0x54: {  	[tilespmem:s7], [sflag:$0x2] =	stream.indirect_vreg.gather [hbm4b:s10+s3], $0x80, v4, vm0, $0xb8;
	[tilespmem:$0x11800] =	vst v63  }
0x55: {  	v4 =	vld [tilespmem:$0x10];
	_ =	sdelay $0x4  }
0x56: {  	v5 =	vshll.u32 v4, $0x3  }
0x57: {  	v4 =	vand.u32 $0x7, v4;
	v5 =	vand.u32 $0xFFFFFFC0, v5  }
0x58: {  	v4 =	vor.u32 v4, v5  }
0x59: {  	v5 =	vperm.xlane v4, v0;
	_ =	sdelay $0x1  }
0x5a: {  	v5 =	vadd.s32 v1, v5;
	_ =	sdelay $0x3  }
0x5b: {  	s17 =	simm.s32 $0x5800  }
0x5c: {  	[tilespmem:s17], [sflag:$0x2] =	stream.indirect_vreg.gather [hbm4b:s2+s3], $0x80, v5, vm0, $0xb8;
	[tilespmem:$0x11800] =	vst v63  }
0x5d: {  	s5 =	simm.s32 $0x6000;
	v4 =	vperm.xlane v4, v2  }
0x5e: {  	[tilespmem:s5], [sflag:$0x2] =	stream.indirect_vreg.gather [hbm4b:s8+s3], $0x80, v5, vm0, $0xb8;
	[tilespmem:$0x11800] =	vst v63  }
0x5f: {  	s6 =	simm.s32 $0x6800;
	v4 =	vadd.s32 v1, v4  }
0x60: {  	[tilespmem:s6], [sflag:$0x2] =	stream.indirect_vreg.gather [hbm4b:s9+s3], $0x80, v5, vm0, $0xb8;
	[tilespmem:$0x11800] =	vst v63  }
0x61: {  	s7 =	simm.s32 $0x7000  }
0x62: {  	[tilespmem:s7], [sflag:$0x2] =	stream.indirect_vreg.gather [hbm4b:s10+s3], $0x80, v5, vm0, $0xb8;
	[tilespmem:$0x11800] =	vst v63  }
0x63: {  	s17 =	simm.s32 $0x7800  }
0x64: {  	[tilespmem:s17], [sflag:$0x2] =	stream.indirect_vreg.gather [hbm4b:s2+s3], $0x80, v4, vm0, $0xb8;
	[tilespmem:$0x11800] =	vst v63  }
0x65: {  	s5 =	simm.s32 $0x8000  }
0x66: {  	[tilespmem:s5], [sflag:$0x2] =	stream.indirect_vreg.gather [hbm4b:s8+s3], $0x80, v4, vm0, $0xb8;
	[tilespmem:$0x11800] =	vst v63  }
0x67: {  	s6 =	simm.s32 $0x8800  }
0x68: {  	[tilespmem:s6], [sflag:$0x2] =	stream.indirect_vreg.gather [hbm4b:s9+s3], $0x80, v4, vm0, $0xb8;
	[tilespmem:$0x11800] =	vst v63  }
0x69: {  	s7 =	simm.s32 $0x9000  }
0x6a: {  	[tilespmem:s7], [sflag:$0x2] =	stream.indirect_vreg.gather [hbm4b:s10+s3], $0x80, v4, vm0, $0xb8;
	[tilespmem:$0x11800] =	vst v63  }
0x6b: {  	v4 =	vld [tilespmem:$0x20];
	_ =	sdelay $0x4  }
0x6c: {  	v5 =	vshll.u32 v4, $0x3  }
0x6d: {  	v4 =	vand.u32 $0x7, v4;
	v5 =	vand.u32 $0xFFFFFFC0, v5  }
0x6e: {  	v4 =	vor.u32 v4, v5  }
0x6f: {  	v5 =	vperm.xlane v4, v0;
	_ =	sdelay $0x1  }
0x70: {  	v5 =	vadd.s32 v1, v5;
	_ =	sdelay $0x4  }
0x71: {  	[tilespmem:s11], [sflag:$0x3] =	stream.indirect_vreg.gather [hbm4b:s2+s3], $0x80, v5, vm0, $0xb8;
	[tilespmem:$0x11800] =	vst v63  }
0x72: {  	v4 =	vperm.xlane v4, v2  }
0x73: {  	[tilespmem:s12], [sflag:$0x3] =	stream.indirect_vreg.gather [hbm4b:s8+s3], $0x80, v5, vm0, $0xb8;
	[tilespmem:$0x11800] =	vst v63  }
0x74: {  	v4 =	vadd.s32 v1, v4  }
0x75: {  	[tilespmem:s13], [sflag:$0x3] =	stream.indirect_vreg.gather [hbm4b:s9+s3], $0x80, v5, vm0, $0xb8;
	[tilespmem:$0x11800] =	vst v63  }
0x76: {  	_ = 	snop  }
0x77: {  	[tilespmem:s14], [sflag:$0x3] =	stream.indirect_vreg.gather [hbm4b:s10+s3], $0x80, v5, vm0, $0xb8;
	[tilespmem:$0x11800] =	vst v63  }
0x78: {  	_ = 	snop  }
0x79: {  	[tilespmem:s15], [sflag:$0x3] =	stream.indirect_vreg.gather [hbm4b:s2+s3], $0x80, v4, vm0, $0xb8;
	[tilespmem:$0x11800] =	vst v63  }
0x7a: {  	_ = 	snop  }
0x7b: {  	[tilespmem:s16], [sflag:$0x3] =	stream.indirect_vreg.gather [hbm4b:s8+s3], $0x80, v4, vm0, $0xb8;
	[tilespmem:$0x11800] =	vst v63  }
0x7c: {  	_ = 	snop  }
0x7d: {  	[tilespmem:s19], [sflag:$0x3] =	stream.indirect_vreg.gather [hbm4b:s9+s3], $0x80, v4, vm0, $0xb8;
	[tilespmem:$0x11800] =	vst v63  }
0x7e: {  	s4 =	simm.s32 $0xD000  }
0x7f: {  	[tilespmem:s4], [sflag:$0x3] =	stream.indirect_vreg.gather [hbm4b:s10+s3], $0x80, v4, vm0, $0xb8;
	[tilespmem:$0x11800] =	vst v63  }
0x80: {  	v4 =	vld [tilespmem:$0x30];
	_ =	sdelay $0x4  }
0x81: {  	v5 =	vshll.u32 v4, $0x3  }
0x82: {  	v4 =	vand.u32 $0x7, v4;
	v5 =	vand.u32 $0xFFFFFFC0, v5  }
0x83: {  	v4 =	vor.u32 v4, v5  }
0x84: {  	v5 =	vperm.xlane v4, v0;
	_ =	sdelay $0x1  }
0x85: {  	v5 =	vadd.s32 v1, v5;
	_ =	sdelay $0x4  }
0x86: {  	[tilespmem:s21], [sflag:$0x3] =	stream.indirect_vreg.gather [hbm4b:s2+s3], $0x80, v5, vm0, $0xb8;
	[tilespmem:$0x11800] =	vst v63  }
0x87: {  	v4 =	vperm.xlane v4, v2  }
0x88: {  	[tilespmem:s22], [sflag:$0x3] =	stream.indirect_vreg.gather [hbm4b:s8+s3], $0x80, v5, vm0, $0xb8;
	[tilespmem:$0x11800] =	vst v63  }
0x89: {  	v4 =	vadd.s32 v1, v4  }
0x8a: {  	[tilespmem:s23], [sflag:$0x3] =	stream.indirect_vreg.gather [hbm4b:s9+s3], $0x80, v5, vm0, $0xb8;
	[tilespmem:$0x11800] =	vst v63  }
0x8b: {  	_ = 	snop  }
0x8c: {  	[tilespmem:s24], [sflag:$0x3] =	stream.indirect_vreg.gather [hbm4b:s10+s3], $0x80, v5, vm0, $0xb8;
	[tilespmem:$0x11800] =	vst v63  }
0x8d: {  	_ = 	snop  }
0x8e: {  	[tilespmem:s25], [sflag:$0x3] =	stream.indirect_vreg.gather [hbm4b:s2+s3], $0x80, v4, vm0, $0xb8;
	[tilespmem:$0x11800] =	vst v63  }
0x8f: {  	_ = 	snop  }
0x90: {  	[tilespmem:s26], [sflag:$0x3] =	stream.indirect_vreg.gather [hbm4b:s8+s3], $0x80, v4, vm0, $0xb8;
	[tilespmem:$0x11800] =	vst v63  }
0x91: {  	_ = 	snop  }
0x92: {  	[tilespmem:s28], [sflag:$0x3] =	stream.indirect_vreg.gather [hbm4b:s9+s3], $0x80, v4, vm0, $0xb8;
	[tilespmem:$0x11800] =	vst v63  }
0x93: {  	s17 =	simm.s32 $0x1  }
0x94: {  	[tilespmem:s29], [sflag:$0x3] =	stream.indirect_vreg.gather [hbm4b:s10+s3], $0x80, v4, vm0, $0xb8;
	[tilespmem:$0x11800] =	vst v63  }
0x95: {  	_ =	swait.ge [sflag:s17], $0x80  }
0x96: {  	[sflag:s17] =	ssyncset.done $0x0  }
0x97: {  	[sflag:s17] =	ssyncadd.s32 $0xFFFFFF80  }
0x98: {  	_ =	swait.ge [sflag:s17], $0x80  }
0x99: {  	[sflag:s17] =	ssyncset.done $0x0  }
0x9a: {  	[sflag:s17] =	ssyncadd.s32 $0xFFFFFF80  }
0x9b: {  	_ =	swait.ge [sflag:s17], $0x80  }
0x9c: {  	[sflag:s17] =	ssyncset.done $0x0  }
0x9d: {  	[sflag:s17] =	ssyncadd.s32 $0xFFFFFF80  }
0x9e: {  	_ =	swait.ge [sflag:s17], $0x80  }
0x9f: {  	[sflag:s17] =	ssyncset.done $0x0  }
0xa0: {  	[sflag:s17] =	ssyncadd.s32 $0xFFFFFF80  }
0xa1: {  	_ =	swait.ge [sflag:s17], $0x80  }
0xa2: {  	[sflag:s17] =	ssyncset.done $0x0  }
0xa3: {  	[sflag:s17] =	ssyncadd.s32 $0xFFFFFF80  }
0xa4: {  	_ =	swait.ge [sflag:s17], $0x80  }
0xa5: {  	[sflag:s17] =	ssyncset.done $0x0  }
0xa6: {  	[sflag:s17] =	ssyncadd.s32 $0xFFFFFF80  }
0xa7: {  	_ =	swait.ge [sflag:s17], $0x80  }
0xa8: {  	[sflag:s17] =	ssyncset.done $0x0  }
0xa9: {  	[sflag:s17] =	ssyncadd.s32 $0xFFFFFF80  }
0xaa: {  	_ =	swait.ge [sflag:s17], $0x80  }
0xab: {  	[sflag:s17] =	ssyncset.done $0x0  }
0xac: {  	[sflag:s17] =	ssyncadd.s32 $0xFFFFFF80  }
0xad: {  	_ =	swait.ge [sflag:s17], $0x80  }
0xae: {  	[sflag:s17] =	ssyncset.done $0x0  }
0xaf: {  	[sflag:s17] =	ssyncadd.s32 $0xFFFFFF80  }
0xb0: {  	_ =	swait.ge [sflag:s17], $0x80  }
0xb1: {  	[sflag:s17] =	ssyncset.done $0x0  }
0xb2: {  	[sflag:s17] =	ssyncadd.s32 $0xFFFFFF80  }
0xb3: {  	_ =	swait.ge [sflag:s17], $0x80  }
0xb4: {  	[sflag:s17] =	ssyncset.done $0x0  }
0xb5: {  	[sflag:s17] =	ssyncadd.s32 $0xFFFFFF80  }
0xb6: {  	_ =	swait.ge [sflag:s17], $0x80  }
0xb7: {  	[sflag:s17] =	ssyncset.done $0x0  }
0xb8: {  	[sflag:s17] =	ssyncadd.s32 $0xFFFFFF80  }
0xb9: {  	_ =	swait.ge [sflag:s17], $0x40  }
0xba: {  	[sflag:s17] =	ssyncset.done $0x0  }
0xbb: {  	[sflag:s17] =	ssyncadd.s32 $0xFFFFFFC0  }
0xbc: {  	s6 =	simm.s32 $0x0;
	s5 =	rddreg [dreg:$0xb];
	[tilespmem:$0x1780] =	vst v3  }
.LBB2_2:
0xbd: {  	_ =	swait.ge [sflag:s30], $0x8000  }
0xbe: {  	[sflag:s30] =	ssyncset.done $0x0  }
0xbf: {  	s7 =	sshra.s32 s6, $0x2;
	[sflag:s30] =	ssyncadd.s32 $0xFFFF8000  }
0xc0: {  	[hbm4b:s5+s3] =	stream.linear.scatter [tilespmem:s20], [sflag:$0x4], $0x8000, $0x38;
	[tilespmem:$0x11800] =	vst v63  }
0xc1: {  	v4 =	vld [tilespmem:s7+$0x0];
	_ =	sdelay $0x6  }
0xc2: {  	v5 =	vld [tilespmem:s7+$0x1100]  }
0xc3: {  	v4 =	vld.idx.msk [tilespmem:v4+s18+$0x0], $0xffff;
	_ =	sdelay $0x1  }
0xc4: {  	v6 =	vld [tilespmem:$0x1780];
	_ =	sdelay $0x2  }
0xc5: {  	v4 =	vsub.f32 v4, v5;
	_ =	sdelay $0x1  }
0xc6: {  	v4 =	vadd.f32 v4, v6;
	_ =	sdelay $0x1  }
0xc7: {  	[tilespmem:$0x1780] =	vst v4  }
0xc8: {  	v5 =	vld [tilespmem:s7+$0x10];
	_ =	sdelay $0x6  }
0xc9: {  	v61 =	vld [tilespmem:s7+$0x1110]  }
0xca: {  	v5 =	vld.idx.msk [tilespmem:v5+s18+$0x0], $0xffff;
	_ =	sdelay $0x4  }
0xcb: {  	v5 =	vsub.f32 v5, v61;
	_ =	sdelay $0x1  }
0xcc: {  	v4 =	vadd.f32 v5, v4;
	_ =	sdelay $0x1  }
0xcd: {  	[tilespmem:$0x1780] =	vst v4  }
0xce: {  	_ =	swait.ge [sflag:s31], $0x8000  }
0xcf: {  	[sflag:s31] =	ssyncset.done $0x0  }
0xd0: {  	[sflag:s31] =	ssyncadd.s32 $0xFFFF8000  }
0xd1: {  	v4 =	vld [tilespmem:s7+$0x40];
	_ =	sdelay $0x4  }
0xd2: {  	v5 =	vshll.u32 v4, $0x3  }
0xd3: {  	v4 =	vand.u32 $0x7, v4;
	v5 =	vand.u32 $0xFFFFFFC0, v5  }
0xd4: {  	v4 =	vor.u32 v4, v5  }
0xd5: {  	v5 =	vperm.xlane v4, v0;
	_ =	sdelay $0x1  }
0xd6: {  	v5 =	vadd.s32 v1, v5;
	_ =	sdelay $0x4  }
0xd7: {  	[tilespmem:s20], [sflag:$0x2] =	stream.indirect_vreg.gather [hbm4b:s2+s3], $0x80, v5, vm0, $0xb8;
	[tilespmem:$0x11800] =	vst v63  }
0xd8: {  	s17 =	simm.s32 $0x2000;
	v4 =	vperm.xlane v4, v2  }
0xd9: {  	[tilespmem:s17], [sflag:$0x2] =	stream.indirect_vreg.gather [hbm4b:s8+s3], $0x80, v5, vm0, $0xb8;
	[tilespmem:$0x11800] =	vst v63  }
0xda: {  	v4 =	vadd.s32 v1, v4;
	s17 =	simm.s32 $0x2800  }
0xdb: {  	[tilespmem:s17], [sflag:$0x2] =	stream.indirect_vreg.gather [hbm4b:s9+s3], $0x80, v5, vm0, $0xb8;
	[tilespmem:$0x11800] =	vst v63  }
0xdc: {  	s17 =	simm.s32 $0x3000  }
0xdd: {  	[tilespmem:s17], [sflag:$0x2] =	stream.indirect_vreg.gather [hbm4b:s10+s3], $0x80, v5, vm0, $0xb8;
	[tilespmem:$0x11800] =	vst v63  }
0xde: {  	s17 =	simm.s32 $0x3800  }
0xdf: {  	[tilespmem:s17], [sflag:$0x2] =	stream.indirect_vreg.gather [hbm4b:s2+s3], $0x80, v4, vm0, $0xb8;
	[tilespmem:$0x11800] =	vst v63  }
0xe0: {  	s17 =	simm.s32 $0x4000  }
0xe1: {  	[tilespmem:s17], [sflag:$0x2] =	stream.indirect_vreg.gather [hbm4b:s8+s3], $0x80, v4, vm0, $0xb8;
	[tilespmem:$0x11800] =	vst v63  }
0xe2: {  	s17 =	simm.s32 $0x4800  }
0xe3: {  	[tilespmem:s17], [sflag:$0x2] =	stream.indirect_vreg.gather [hbm4b:s9+s3], $0x80, v4, vm0, $0xb8;
	[tilespmem:$0x11800] =	vst v63  }
0xe4: {  	s17 =	simm.s32 $0x5000  }
0xe5: {  	[tilespmem:s17], [sflag:$0x2] =	stream.indirect_vreg.gather [hbm4b:s10+s3], $0x80, v4, vm0, $0xb8;
	[tilespmem:$0x11800] =	vst v63  }
0xe6: {  	v4 =	vld [tilespmem:s7+$0x50];
	_ =	sdelay $0x4  }
0xe7: {  	v5 =	vshll.u32 v4, $0x3  }
0xe8: {  	v4 =	vand.u32 $0x7, v4;
	v5 =	vand.u32 $0xFFFFFFC0, v5  }
0xe9: {  	v4 =	vor.u32 v4, v5  }
0xea: {  	v5 =	vperm.xlane v4, v0;
	_ =	sdelay $0x1  }
0xeb: {  	v5 =	vadd.s32 v1, v5;
	_ =	sdelay $0x3  }
0xec: {  	s17 =	simm.s32 $0x5800  }
0xed: {  	[tilespmem:s17], [sflag:$0x2] =	stream.indirect_vreg.gather [hbm4b:s2+s3], $0x80, v5, vm0, $0xb8;
	[tilespmem:$0x11800] =	vst v63  }
0xee: {  	v4 =	vperm.xlane v4, v2;
	s17 =	simm.s32 $0x6000  }
0xef: {  	[tilespmem:s17], [sflag:$0x2] =	stream.indirect_vreg.gather [hbm4b:s8+s3], $0x80, v5, vm0, $0xb8;
	[tilespmem:$0x11800] =	vst v63  }
0xf0: {  	v4 =	vadd.s32 v1, v4;
	s17 =	simm.s32 $0x6800  }
0xf1: {  	[tilespmem:s17], [sflag:$0x2] =	stream.indirect_vreg.gather [hbm4b:s9+s3], $0x80, v5, vm0, $0xb8;
	[tilespmem:$0x11800] =	vst v63  }
0xf2: {  	s17 =	simm.s32 $0x7000  }
0xf3: {  	[tilespmem:s17], [sflag:$0x2] =	stream.indirect_vreg.gather [hbm4b:s10+s3], $0x80, v5, vm0, $0xb8;
	[tilespmem:$0x11800] =	vst v63  }
0xf4: {  	s17 =	simm.s32 $0x7800  }
0xf5: {  	[tilespmem:s17], [sflag:$0x2] =	stream.indirect_vreg.gather [hbm4b:s2+s3], $0x80, v4, vm0, $0xb8;
	[tilespmem:$0x11800] =	vst v63  }
0xf6: {  	s17 =	simm.s32 $0x8000  }
0xf7: {  	[tilespmem:s17], [sflag:$0x2] =	stream.indirect_vreg.gather [hbm4b:s8+s3], $0x80, v4, vm0, $0xb8;
	[tilespmem:$0x11800] =	vst v63  }
0xf8: {  	s17 =	simm.s32 $0x8800  }
0xf9: {  	[tilespmem:s17], [sflag:$0x2] =	stream.indirect_vreg.gather [hbm4b:s9+s3], $0x80, v4, vm0, $0xb8;
	[tilespmem:$0x11800] =	vst v63  }
0xfa: {  	s17 =	simm.s32 $0x9000  }
0xfb: {  	[tilespmem:s17], [sflag:$0x2] =	stream.indirect_vreg.gather [hbm4b:s10+s3], $0x80, v4, vm0, $0xb8;
	[tilespmem:$0x11800] =	vst v63  }
0xfc: {  	_ =	swait.ge [sflag:s1], $0x8000  }
0xfd: {  	[sflag:s1] =	ssyncset.done $0x0  }
0xfe: {  	s17 =	sadd.s32 $0x1000, s5;
	[sflag:s1] =	ssyncadd.s32 $0xFFFF8000  }
0xff: {  	[hbm4b:s17+s3] =	stream.linear.scatter [tilespmem:s11], [sflag:$0x5], $0x8000, $0x38;
	[tilespmem:$0x11800] =	vst v63  }
0x100: {  	v4 =	vld [tilespmem:s7+$0x20];
	_ =	sdelay $0x6  }
0x101: {  	v5 =	vld [tilespmem:s7+$0x1120]  }
0x102: {  	v4 =	vld.idx.msk [tilespmem:v4+s18+$0x0], $0xffff;
	_ =	sdelay $0x1  }
0x103: {  	v62 =	vld [tilespmem:$0x1780];
	_ =	sdelay $0x2  }
0x104: {  	v4 =	vsub.f32 v4, v5;
	_ =	sdelay $0x1  }
0x105: {  	v4 =	vadd.f32 v4, v62;
	_ =	sdelay $0x1  }
0x106: {  	[tilespmem:$0x1780] =	vst v4  }
0x107: {  	v5 =	vld [tilespmem:s7+$0x30];
	_ =	sdelay $0x6  }
0x108: {  	v63 =	vld [tilespmem:s7+$0x1130]  }
0x109: {  	v5 =	vld.idx.msk [tilespmem:v5+s18+$0x0], $0xffff;
	_ =	sdelay $0x4  }
0x10a: {  	v5 =	vsub.f32 v5, v63;
	_ =	sdelay $0x1  }
0x10b: {  	v4 =	vadd.f32 v5, v4;
	_ =	sdelay $0x1  }
0x10c: {  	[tilespmem:$0x1780] =	vst v4  }
0x10d: {  	_ =	swait.ge [sflag:s0], $0x8000  }
0x10e: {  	[sflag:s0] =	ssyncset.done $0x0  }
0x10f: {  	[sflag:s0] =	ssyncadd.s32 $0xFFFF8000  }
0x110: {  	v4 =	vld [tilespmem:s7+$0x60];
	_ =	sdelay $0x4  }
0x111: {  	v5 =	vshll.u32 v4, $0x3  }
0x112: {  	v4 =	vand.u32 $0x7, v4;
	v5 =	vand.u32 $0xFFFFFFC0, v5  }
0x113: {  	v4 =	vor.u32 v4, v5  }
0x114: {  	v5 =	vperm.xlane v4, v0;
	_ =	sdelay $0x1  }
0x115: {  	v5 =	vadd.s32 v1, v5;
	_ =	sdelay $0x4  }
0x116: {  	[tilespmem:s11], [sflag:$0x3] =	stream.indirect_vreg.gather [hbm4b:s2+s3], $0x80, v5, vm0, $0xb8;
	[tilespmem:$0x11800] =	vst v63  }
0x117: {  	v4 =	vperm.xlane v4, v2  }
0x118: {  	[tilespmem:s12], [sflag:$0x3] =	stream.indirect_vreg.gather [hbm4b:s8+s3], $0x80, v5, vm0, $0xb8;
	[tilespmem:$0x11800] =	vst v63  }
0x119: {  	v4 =	vadd.s32 v1, v4  }
0x11a: {  	[tilespmem:s13], [sflag:$0x3] =	stream.indirect_vreg.gather [hbm4b:s9+s3], $0x80, v5, vm0, $0xb8;
	[tilespmem:$0x11800] =	vst v63  }
0x11b: {  	_ = 	snop  }
0x11c: {  	[tilespmem:s14], [sflag:$0x3] =	stream.indirect_vreg.gather [hbm4b:s10+s3], $0x80, v5, vm0, $0xb8;
	[tilespmem:$0x11800] =	vst v63  }
0x11d: {  	_ = 	snop  }
0x11e: {  	[tilespmem:s15], [sflag:$0x3] =	stream.indirect_vreg.gather [hbm4b:s2+s3], $0x80, v4, vm0, $0xb8;
	[tilespmem:$0x11800] =	vst v63  }
0x11f: {  	_ = 	snop  }
0x120: {  	[tilespmem:s16], [sflag:$0x3] =	stream.indirect_vreg.gather [hbm4b:s8+s3], $0x80, v4, vm0, $0xb8;
	[tilespmem:$0x11800] =	vst v63  }
0x121: {  	_ = 	snop  }
0x122: {  	[tilespmem:s19], [sflag:$0x3] =	stream.indirect_vreg.gather [hbm4b:s9+s3], $0x80, v4, vm0, $0xb8;
	[tilespmem:$0x11800] =	vst v63  }
0x123: {  	_ = 	snop  }
0x124: {  	[tilespmem:s4], [sflag:$0x3] =	stream.indirect_vreg.gather [hbm4b:s10+s3], $0x80, v4, vm0, $0xb8;
	[tilespmem:$0x11800] =	vst v63  }
0x125: {  	v4 =	vld [tilespmem:s7+$0x70];
	_ =	sdelay $0x4  }
0x126: {  	v5 =	vshll.u32 v4, $0x3  }
0x127: {  	v4 =	vand.u32 $0x7, v4;
	v5 =	vand.u32 $0xFFFFFFC0, v5  }
0x128: {  	v4 =	vor.u32 v4, v5  }
0x129: {  	v5 =	vperm.xlane v4, v0;
	_ =	sdelay $0x1  }
0x12a: {  	v5 =	vadd.s32 v1, v5;
	_ =	sdelay $0x4  }
0x12b: {  	[tilespmem:s21], [sflag:$0x3] =	stream.indirect_vreg.gather [hbm4b:s2+s3], $0x80, v5, vm0, $0xb8;
	[tilespmem:$0x11800] =	vst v63  }
0x12c: {  	v4 =	vperm.xlane v4, v2  }
0x12d: {  	[tilespmem:s22], [sflag:$0x3] =	stream.indirect_vreg.gather [hbm4b:s8+s3], $0x80, v5, vm0, $0xb8;
	[tilespmem:$0x11800] =	vst v63  }
0x12e: {  	v4 =	vadd.s32 v1, v4  }
0x12f: {  	[tilespmem:s23], [sflag:$0x3] =	stream.indirect_vreg.gather [hbm4b:s9+s3], $0x80, v5, vm0, $0xb8;
	[tilespmem:$0x11800] =	vst v63  }
0x130: {  	_ = 	snop  }
0x131: {  	[tilespmem:s24], [sflag:$0x3] =	stream.indirect_vreg.gather [hbm4b:s10+s3], $0x80, v5, vm0, $0xb8;
	[tilespmem:$0x11800] =	vst v63  }
0x132: {  	_ = 	snop  }
0x133: {  	[tilespmem:s25], [sflag:$0x3] =	stream.indirect_vreg.gather [hbm4b:s2+s3], $0x80, v4, vm0, $0xb8;
	[tilespmem:$0x11800] =	vst v63  }
0x134: {  	p0 =	sne.s32 s6, $0x1700  }
0x135: {  	[tilespmem:s26], [sflag:$0x3] =	stream.indirect_vreg.gather [hbm4b:s8+s3], $0x80, v4, vm0, $0xb8;
	[tilespmem:$0x11800] =	vst v63  }
.Ltmp0:
0x136: {  	_ = 	snop;
	(pc) =	sbr.rel @p0 .LBB2_2-.Ltmp0, $4  }
0x137: {  	_ = 	snop  }
0x138: {  	[tilespmem:s28], [sflag:$0x3] =	stream.indirect_vreg.gather [hbm4b:s9+s3], $0x80, v4, vm0, $0xb8;
	[tilespmem:$0x11800] =	vst v63  }
0x139: {  	s6 =	sadd.s32 $0x100, s6;
	s5 =	sadd.s32 $0x2000, s5  }
0x13a: {  	[tilespmem:s29], [sflag:$0x3] =	stream.indirect_vreg.gather [hbm4b:s10+s3], $0x80, v4, vm0, $0xb8;
	[tilespmem:$0x11800] =	vst v63  }
0x13b: {  	_ =	swait.ge [sflag:s30], $0x8000  }
0x13c: {  	[sflag:s30] =	ssyncset.done $0x0  }
0x13d: {  	s5 =	rddreg [dreg:$0x7];
	[sflag:s30] =	ssyncadd.s32 $0xFFFF8000  }
0x13e: {  	[hbm4b:s5+s3] =	stream.linear.scatter [tilespmem:s20], [sflag:$0x4], $0x8000, $0x38;
	[tilespmem:$0x11800] =	vst v63  }
0x13f: {  	v4 =	vld [tilespmem:$0x600];
	_ =	sdelay $0x6  }
0x140: {  	v5 =	vld [tilespmem:$0x1700]  }
0x141: {  	v4 =	vld.idx.msk [tilespmem:v4+s18+$0x0], $0xffff  }
0x142: {  	v6 =	vld [tilespmem:$0x1780]  }
0x143: {  	v7 =	vld [tilespmem:$0x610];
	_ =	sdelay $0x2  }
0x144: {  	v4 =	vsub.f32 v4, v5;
	_ =	sdelay $0x1  }
0x145: {  	v4 =	vadd.f32 v4, v6;
	_ =	sdelay $0x1  }
0x146: {  	v60 =	vld [tilespmem:$0x1710];
	[tilespmem:$0x1780] =	vst v4  }
0x147: {  	v5 =	vld.idx.msk [tilespmem:v7+s18+$0x0], $0xffff;
	_ =	sdelay $0x4  }
0x148: {  	v5 =	vsub.f32 v5, v60;
	_ =	sdelay $0x1  }
0x149: {  	v4 =	vadd.f32 v5, v4;
	_ =	sdelay $0x1  }
0x14a: {  	[tilespmem:$0x1780] =	vst v4  }
0x14b: {  	_ =	swait.ge [sflag:s31], $0x8000  }
0x14c: {  	[sflag:s31] =	ssyncset.done $0x0  }
0x14d: {  	[sflag:s31] =	ssyncadd.s32 $0xFFFF8000  }
0x14e: {  	_ =	swait.ge [sflag:s1], $0x8000  }
0x14f: {  	[sflag:s1] =	ssyncset.done $0x0  }
0x150: {  	s4 =	rddreg [dreg:$0x8];
	[sflag:s1] =	ssyncadd.s32 $0xFFFF8000  }
0x151: {  	[hbm4b:s4+s3] =	stream.linear.scatter [tilespmem:s11], [sflag:$0x5], $0x8000, $0x38;
	[tilespmem:$0x11800] =	vst v63  }
0x152: {  	v4 =	vld [tilespmem:$0x620];
	_ =	sdelay $0x6  }
0x153: {  	v5 =	vld [tilespmem:$0x1720]  }
0x154: {  	v4 =	vld.idx.msk [tilespmem:v4+s18+$0x0], $0xffff  }
0x155: {  	v61 =	vld [tilespmem:$0x1780]  }
0x156: {  	v62 =	vld [tilespmem:$0x630];
	_ =	sdelay $0x2  }
0x157: {  	v4 =	vsub.f32 v4, v5;
	_ =	sdelay $0x1  }
0x158: {  	v4 =	vadd.f32 v4, v61;
	_ =	sdelay $0x1  }
0x159: {  	v63 =	vld [tilespmem:$0x1730];
	[tilespmem:$0x1780] =	vst v4  }
0x15a: {  	v5 =	vld.idx.msk [tilespmem:v62+s18+$0x0], $0xffff;
	_ =	sdelay $0x4  }
0x15b: {  	v5 =	vsub.f32 v5, v63;
	_ =	sdelay $0x1  }
0x15c: {  	v4 =	vadd.f32 v5, v4;
	_ =	sdelay $0x1  }
0x15d: {  	[tilespmem:$0x1780] =	vst v4  }
0x15e: {  	_ =	swait.ge [sflag:s0], $0x8000  }
0x15f: {  	[sflag:s0] =	ssyncset.done $0x0  }
0x160: {  	s4 =	simm.s32 $0x1780;
	s6 =	rddreg [dreg:$0x9];
	[sflag:s0] =	ssyncadd.s32 $0xFFFF8000  }
0x161: {  	[hbm4b:s6+s3] =	stream.linear.scatter [tilespmem:s4], [sflag:$0x6], $0x80, $0x38;
	[tilespmem:$0x11800] =	vst v63  }
0x162: {  	s6 =	simm.s32 $0x6  }
0x163: {  	_ =	swait.ge [sflag:s6], $0x80  }
0x164: {  	s7 =	rddreg [dreg:$0xc]  }
0x165: {  	s17 =	rddreg [dreg:$0xa];
	s4 =	sadd.s32 $0x1, s7  }
0x166: {  	p0 =	sne.s32 s4, s17  }
.Ltmp1:
0x167: {  	_ = 	snop;
	(pc) =	sbr.rel @p0 .LBB2_1-.Ltmp1, $3  }
0x168: {  	_ =	sdelay $0x1  }
0x169: {  	[sflag:s6] =	ssyncset.done $0x0  }
0x16a: {  	[sflag:s6] =	ssyncadd.s32 $0xFFFFFF80  }
0x16b: {  	_ =	sfence.sel $0x180000  }
0x16c: {  	[bflag:$0x0] =	sbarrier.arrive $0xFFFF  }
0x16d: {  	_ =	strace $0x90000047  }
0x16e: {  	s0 =	stileid.u32;
	[bflag:$0x2] =	sbarrier.arrive $0xFFFF  }
0x16f: {  	p0 =	sne.s32 s0, $0x0;
	s0 =	rddreg [dreg:$0x2]  }
0x170: {  	s0 =	sadd.s32 @!p0 $0x100000, s0  }
0x171: {  	[sflag:s0] =	ssyncadd.tile.s32 @!p0 $0x1;
	_ =	shalt  }
.Lfunc_end2:
_tile_overlayer_lowered:
.L_overlay_start_2:
0x172: {  	(tag) =	ssettag $0x2  }
0x173: {  	s0 =	rddreg [dreg:$0x0];
	s2 =	stileid.u32  }
0x174: {  	s1 =	rddreg [dreg:$0x1];
	p0 =	sne.s32 s2, $0x0  }
0x175: {  	s3 =	rddreg [dreg:$0x2];
	[bflag:$0x3] =	sbarrier.arrive $0xFFFF;
	s2 =	simm.s32 @!p0 $0x1C06  }
0x176: {  	[timem:s3], [sflag:s2] =	dma.local @!p0 [hbm:s0], s1  }
0x177: {  	s0 =	simm.s32 @!p0 $0x6  }
0x178: {  	_ =	swait.ge @!p0 [sflag:s0], s1  }
0x179: {  	s1 =	ssub.s32 @!p0 $0x0, s1;
	[sflag:s0] =	ssyncset.done @!p0 $0x0  }
0x17a: {  	[sflag:s0] =	ssyncadd.s32 @!p0 s1  }
0x17b: {  	[bflag:$0x3] =	sbarrier.arrive $0xFFFF  }
0x17c: {  	_ =	shalt  }

// kernel: sparse-core-data-format-call.cloned.1.call-start
scs
called_computation_lowered:
.L_overlay_start_0:
0x0: {  	s2 =	sld [smem:$0x3FD9]  }
0x1: {  	s3 =	sld [smem:$0x3FFE];
	_ =	sdelay $0x1  }
0x2: {  	s1 =	srdreg.scid  }
0x3: {  	s0 =	sand.u32 $0x1, s1  }
0x4: {  	s15 =	sshll.u32 s0, $0xA;
	s2 =	sadd.s32 s3, s2  }
0x5: {  	s2 =	sadd.s32 s2, s15  }
0x6: {  	[smem:$0x3FC5] =	sst s2  }
0x7: {  	_ = 	snop  }
0x8: {  	s2 =	sld [smem:$0x3FD0];
	_ =	sdelay $0x2  }
0x9: {  	s16 =	simm.s32 $0xA;
	s4 =	simm.s32 $0x10  }
0xa: {  	[smem:s4], [sflag:s16] =	dma.local [hbm:s2], $0x1  }
0xb: {  	_ =	swait.eq [sflag:s16], $0x1  }
0xc: {  	[sflag:s16] =	ssyncset.done $0x0  }
0xd: {  	[sflag:s16] =	ssyncadd.s32 $0xFFFFFFFF  }
0xe: {  	s17 =	sld [smem:$0x10];
	(tm) =	ssettm $0x1  }
0xf: {  	s18 =	sld [smem:$0x3FFB];
	_ =	sdelay $0x3  }
0x10: {  	_ =	strace s18  }
0x11: {  	s3 =	sld [smem:$0x3FFC];
	_ =	sdelay $0x3  }
0x12: {  	_ =	strace s3  }
0x13: {  	s3 =	sld [smem:$0x3FFD];
	_ =	sdelay $0x3  }
0x14: {  	_ =	strace s3  }
0x15: {  	_ =	strace $0x8FFFFFFF  }
0x16: {  	s19 =	sld [smem:$0x3FDB];
	_ =	sdelay $0x1  }
0x17: {  	s20 =	simm.s32 $_scs_section_size  }
0x18: {  	s5 =	simm.s32 $_size__tile_overlayer_lowered;
	s6 =	simm.s32 $_tile_overlayer_lowered  }
0x19: {  	s23 =	simm.s32 $0x1BFF;
	s22 =	sshll.u32 s6, $0x1;
	s3 =	sadd.s32 s20, s19  }
0x1a: {  	s7 =	simm.s32 $0x0;
	s21 =	sshll.u32 s5, $0x1;
	s5 =	sadd.s32 s22, s3  }
0x1b: {  	[timem:s7], [sflag:s23] =	dma.local [hbm:s5], s21  }
0x1c: {  	_ =	swait.ge [sflag:s23], s21  }
0x1d: {  	s4 =	ssub.s32 $0x0, s21;
	[sflag:s23] =	ssyncset.done $0x0  }
0x1e: {  	[sflag:s23] =	ssyncadd.s32 s4;
	_ =	sdelay $0x1  }
0x1f: {  	s24 =	simm.s32 $0x1B8B  }
0x20: {  	_ =	swait.ge [sflag:s24], $0x1  }
0x21: {  	[sflag:s24] =	ssyncset.done $0x0  }
0x22: {  	s26 =	simm.s32 $0x1B8E;
	s25 =	sld [smem:$0x3FFE];
	[sflag:s24] =	ssyncadd.s32 $0xFFFFFFFF  }
0x23: {  	s27 =	simm.s32 $execute0_lowered;
	[smem:$0x3FD2] =	sst s26  }
0x24: {  	s5 =	sshll.u32 s27, $0x1;
	_ =	strace $0x80000049;
	[dreg:$0x1] =	wrdreg $0xFFFFFFFF  }
0x25: {  	s28 =	simm.s32 $_size_execute0_lowered;
	s3 =	sadd.s32 s3, s5;
	[dreg:$0x0] =	wrdreg $0x0  }
0x26: {  	s5 =	sshll.u32 s28, $0x1;
	[dreg:$0x2] =	wrdreg s3  }
0x27: {  	[dreg:$0x3] =	wrdreg s5  }
0x28: {  	[dreg:$0x4] =	wrdreg $0xC0  }
0x29: {  	_ =	task [dreg:s7], $0x5FFFF  }
0x2a: {  	[dreg:$0x1] =	wrdreg $0xFFFFFFFF  }
0x2b: {  	[dreg:$0x0] =	wrdreg $0x60  }
0x2c: {  	[dreg:$0x2] =	wrdreg s25  }
0x2d: {  	[dreg:$0x3] =	wrdreg s17  }
0x2e: {  	[dreg:$0x4] =	wrdreg $0x9  }
0x2f: {  	_ =	task.clear_ibuf [dreg:s7], $0x5FFFF;
	_ =	strace $0x90000049  }
0x30: {  	s29 =	simm.s32 $0x9;
	_ =	strace $0x8000004B  }
0x31: {  	_ =	swait.ge [sflag:s29], $0x1  }
0x32: {  	[sflag:s29] =	ssyncadd.s32 $0xFFFFFFFF  }
0x33: {  	_ =	strace $0x9000004B  }
0x34: {  	_ =	sfence  }
0x35: {  	s30 =	sld [smem:$0x0];
	_ =	sdelay $0x2  }
0x36: {  	s31 =	sshll.u32 s1, $0xD;
	s1 =	sshrl.u32 s1, $0x2  }
0x37: {  	s3 =	sand.u32 $0x4000, s31;
	s1 =	sadd.s32 s1, s30  }
0x38: {  	s0 =	sor.u32 s3, s0;
	s1 =	sshll.u32 s1, $0x11  }
0x39: {  	s0 =	sor.u32 s1, s0  }
0x3a: {  	s0 =	sadd.s32 $0x8F2B, s0  }
0x3b: {  	[sflag:s0] =	ssyncadd.remote.s32 $0x1  }
0x3c: {  	_ =	sfence.sel $0xFFFF  }
0x3d: {  	[dreg:$0x0] =	wrdreg $0xFFFFFFFF;
	(pc) =	sbr.abs _section_cstart, $3  }
0x3e: {  	[dreg:$0x1] =	wrdreg $0xFFFFFFFF  }
0x3f: {  	_ =	task.clear_ibuf [dreg:s7], $0x2FFFF;
	_ =	strace $0x9FFFFFFF  }
0x40: {  	(tm) =	ssettm $0x7FFFFFFF  }
0x41: {  	_ =	shalt  }
tec
execute0_lowered:
.L_overlay_start_1:
0x0: {  	(tag) =	ssettag $0x1  }
0x1: {  	s4 =	rddreg [dreg:$0x0]  }
0x2: {  	s2 =	rddreg [dreg:$0x1];
	s1 =	stileid.u32  }
0x3: {  	s3 =	srdreg.scid;
	s0 =	rddreg [dreg:$0x2];
	_ =	strace $0x8000004A  }
0x4: {  	s10 =	simm.s32 $0x2;
	s14 =	simm.s32 $0x0;
	s16 =	simm.s32 $0x0  }
0x5: {  	s12 =	simm.s32 $0x0;
	s15 =	simm.s32 $0x0;
	s3 =	sshll.u32 s3, $0x4  }
0x6: {  	s5 =	sshll.u32 s1, $0x7;
	s4 =	sadd.s32 $0x23400, s4;
	s6 =	sand.u32 $0x10, s3  }
0x7: {  	s3 =	sand.u32 $0x180, s5;
	s5 =	simm.s32 $0x1;
	s8 =	sor.u32 s1, s6  }
0x8: {  	s31 =	ssub.s32 $0xC800, s3;
	[sflag:s5] =	ssyncpa.u1 $0x0;
	s13 =	smov.u32 s3  }
.Ltmp0:
0x9: {  	s7 =	sshll.u32 s8, $0x5;
	s9 =	sand.u32 $0x180, s31;
	(pc) =	sbr.rel .LBB1_1-.Ltmp0, $4  }
0xa: {  	s11 =	sshrl.u32 s31, $0x9;
	p0 =	sne.s32 s9, $0x0;
	s9 =	simm.s32 $0x1  }
0xb: {  	[sflag:s10] =	ssyncpa.u1 $0x0;
	s8 =	sshll.u32 s8, $0x8;
	s9 =	simm.s32 @!p0 $0x0  }
0xc: {  	s10 =	simm.s32 $0x64000;
	s6 =	sand.u32 $0x380, s7;
	s7 =	sadd.s32 s9, s11  }
0xd: {  	p0 =	por $0x0, $0x0;
	s11 =	simm.s32 $0x0;
	s9 =	sadd.s32 $0x1, s7  }
.LBB1_4:
0xe: {  	s22 =	sshrl.u32 s11, $0x3  }
0xf: {  	s23 =	sshll.u32 s12, $0x3;
	s24 =	sand.u32 $0x7F, s12;
	s22 =	smul.u32 $0x64000, s22  }
0x10: {  	v5 =	vld [tilespmem:s18+$0xFFFFFFD0];
	s21 =	sshra.s32 s21, $0x2;
	s25 =	sshra.s32 s12, $0x1F;
	s23 =	sand.u32 $0xFFFFFC00, s23  }
0x11: {  	[tilespmem:s20+$0x2040 ss:$0x81] =	vst.msk $0xffff, v4;
	v58 =	vld [tilespmem:s18+$0xFFFFFFE0];
	p1 =	sgt.s32 s12, $0xC780;
	s25 =	sand.u32 s25, s12;
	s22 =	sadd.s32 s23, s22  }
0x12: {  	[tilespmem:s20+$0x2850 ss:$0x81] =	vst.msk $0xffff, v3;
	v59 =	vld [tilespmem:s18+$0xFFFFFFF0];
	s23 =	sor.u32 s24, s22;
	s22 =	smulhi.u32 $0x51EB851F, s22;
	s24 =	smov.u32 s12  }
0x13: {  	[tilespmem:s20+$0x3060 ss:$0x81] =	vst.msk $0xffff, v2;
	v60 =	vld [tilespmem:s18+$0x0];
	s19 =	sadd.s32 s21, s19;
	s26 =	smulhi.u32 $0x51EB851F, s23;
	s24 =	simm.s32 @!p1 $0xC780  }
0x14: {  	[tilespmem:s20+$0x0 ss:$0x81] =	vst.msk $0xffff, v0;
	v61 =	vld [tilespmem:s18+$0x10];
	p1 =	sgt.s32 s11, $0x368;
	s28 =	sshrl.u32 s22, $0xE;
	s29 =	ssub.s32 s24, s25  }
0x15: {  	[tilespmem:s19+$0x3870 ss:$0x81] =	vst.msk $0xffff, v1;
	s30 =	sshrl.u32 s26, $0xE;
	s31 =	smulhi.u32 $0x418938, s28;
	s25 =	sadd.s32 $0xFFFF3880, s29  }
0x16: {  	v62 =	vld [tilespmem:s18+$0x20];
	[tilespmem:s19+$0x810 ss:$0x81] =	vst.msk $0xffff, v5;
	s22 =	smul.u32 $0xC800, s30;
	p2 =	sgt.s32 s25, $0x7F;
	s25 =	smov.u32 s11  }
0x17: {  	v63 =	vld [tilespmem:s18+$0xFFFFFFC0];
	[tilespmem:s19+$0x1020 ss:$0x81] =	vst.msk $0xffff, v58;
	s21 =	ssub.s32 $0xC800, s29;
	s25 =	simm.s32 @!p1 $0x368;
	s26 =	smul.u32 $0x3E8, s31  }
0x18: {  	[tilespmem:s19+$0x1830 ss:$0x81] =	vst.msk $0xffff, v59;
	s21 =	simm.s32 @p2 $0x0;
	s27 =	ssub.s32 $0x3E8, s25  }
0x19: {  	[tilespmem:s19+$0x2040 ss:$0x81] =	vst.msk $0xffff, v60;
	s22 =	ssub.s32 s23, s22;
	s18 =	ssub.s32 s28, s26;
	s28 =	smul.u32 s27, s21  }
0x1a: {  	[tilespmem:s19+$0x2850 ss:$0x81] =	vst.msk $0xffff, v61;
	s29 =	sshrl.u32 s22, $0x3;
	s22 =	sand.u32 $0x7, s22;
	s18 =	smul.u32 $0x1900, s18  }
0x1b: {  	[tilespmem:s19+$0x3060 ss:$0x81] =	vst.msk $0xffff, v62;
	s21 =	sadd.s32 s2, s29;
	s22 =	sshll.u32 s22, $0x12  }
0x1c: {  	[tilespmem:s19+$0x0 ss:$0x81] =	vst.msk $0xffff, v63;
	s30 =	sand.u32 $0x3FFFFFF8, s28;
	s31 =	sor.u32 $0x400, s22;
	s18 =	sadd.s32 s18, s21  }
0x1d: {  	[hbm4b:s18+s31] =	stream.strided.scatter [tilespmem:s17], [sflag:$0x2], s30, s10, s31, $0x20;
	[tilespmem:$0x10100] =	vst v63  }
.LBB1_5:
0x1e: {  	p1 =	slt.u32 s15, $0x2  }
0x1f: {  	p2 =	sgt.s32 @!p1 s16, $0xC780  }
0x20: {  	s17 =	smov.u32 s16;
	s18 =	sshra.s32 @!p1 s16, $0x1F;
	p2 =	por !p2, p1  }
0x21: {  	s16 =	sand.u32 @!p1 s18, s16;
	s17 =	simm.s32 @p2 $0xC780  }
0x22: {  	s16 =	ssub.s32 @!p1 s17, s16  }
0x23: {  	p2 =	sgt.s32 @!p1 s14, $0x368;
	s17 =	sadd.s32 @!p1 $0xFFFF3880, s16  }
0x24: {  	s18 =	sadd.s32 $0x200, s13;
	p2 =	por !p2, p1;
	p3 =	sgt.s32 @!p1 s17, $0x7F  }
0x25: {  	s14 =	simm.s32 @p2 $0x368;
	s16 =	ssub.s32 @!p1 $0xC800, s16;
	p2 =	por !p3, p1  }
0x26: {  	s14 =	ssub.s32 @!p1 $0x3E8, s14;
	s16 =	simm.s32 @!p2 $0x0;
	p2 =	sgt.s32 s18, $0xC7FF  }
0x27: {  	s14 =	smul.u32 @!p1 s14, s16;
	s18 =	smov.u32 @p2 s3;
	p2 =	sne.s32 s15, s9  }
.Ltmp1:
0x28: {  	s20 =	sadd.s32 $0x1, s15;
	p0 =	por !p0, !p0;
	(pc) =	sbr.rel @!p2 .LBB1_6-.Ltmp1, $4  }
0x29: {  	s17 =	simm.s32 @!p1 $0x2;
	s16 =	smov.u32 s12;
	s14 =	sand.u32 @!p1 $0x3FFFFFFF, s14  }
0x2a: {  	s12 =	smov.u32 s13;
	s15 =	smov.u32 s20;
	_ =	swait.ge @!p1 [sflag:s17], s14  }
0x2b: {  	s13 =	smov.u32 s18;
	s19 =	ssub.s32 @!p1 $0x0, s14;
	[sflag:s17] =	ssyncset.done @!p1 $0x0  }
0x2c: {  	s14 =	smov.u32 s11;
	s11 =	smov.u32 s6;
	[sflag:s17] =	ssyncadd.s32 @!p1 s19  }
.LBB1_1:
0x2d: {  	p1 =	sge.u32 s15, s7  }
0x2e: {  	s17 =	sshll.u32 @!p1 s13, $0xA  }
0x2f: {  	s17 =	sand.u32 @!p1 $0xFFFFE000, s17  }
0x30: {  	s17 =	sor.u32 @!p1 s8, s17  }
0x31: {  	s17 =	sshrl.u32 @!p1 s17, $0xA  }
0x32: {  	s18 =	smulhi.u32 @!p1 $0x28F5C3, s17;
	_ =	sdelay $0x1  }
0x33: {  	s18 =	sshrl.u32 @!p1 s18, $0x5  }
0x34: {  	s18 =	smul.u32 @!p1 $0xC800, s18  }
0x35: {  	s31 =	sadd.s32 $0xFFFFFFFF, s15;
	s19 =	sxor.u32 @!p1 $0xFFFFFFFF, s15;
	s20 =	sshll.u32 @!p1 s13, $0x4  }
0x36: {  	s19 =	sshll.u32 @!p1 s19, $0xE;
	s17 =	ssub.s32 @!p1 s17, s18;
	s18 =	sand.u32 @!p1 $0x70, s20  }
0x37: {  	s19 =	sand.u32 @!p1 $0x4000, s19;
	s17 =	sshll.u32 @!p1 s17, $0x7;
	s18 =	sadd.s32 @!p1 s4, s18  }
0x38: {  	s20 =	simm.s32 @!p1 $0x2000;
	s17 =	sadd.s32 @!p1 s17, s18;
	s18 =	simm.s32 @!p1 $0x400  }
0x39: {  	[tilespmem:s19], [sflag:$0x1] =	stream.strided.gather @!p1 [hbm4b:s17+s18], $0x4000, s20, s18, $0x38;
	[tilespmem:$0x10100] =	vst v63  }
0x3a: {  	p1 =	sge.u32 s31, s7  }
.Ltmp2:
0x3b: {  	_ = 	snop;
	(pc) =	sbr.rel @p1 .LBB1_5-.Ltmp2, $1  }
0x3c: {  	_ =	sdelay $0x3  }
0x3d: {  	s17 =	simm.s32 $0x1  }
0x3e: {  	_ =	swait.ge [sflag:s5], $0x4000;
	s17 =	simm.s32 @!p0 $0x0  }
0x3f: {  	[sflag:s5] =	ssyncset.done $0x0;
	s18 =	sshll.u32 s17, $0xE  }
0x40: {  	[sflag:s5] =	ssyncadd.s32 $0xFFFFC000;
	s18 =	sor.u32 $0x40, s18  }
0x41: {  	s17 =	smul.u32 $0x10200, s17;
	v0 =	vld [tilespmem:s18+$0x30]  }
0x42: {  	v1 =	vld [tilespmem:s18+$0xFFFFFFD0]  }
0x43: {  	s17 =	sshrl.u32 s17, $0x2;
	v5 =	vld [tilespmem:s18+$0xFFFFFFE0]  }
0x44: {  	v6 =	vld [tilespmem:s18+$0xFFFFFFF0];
	s19 =	sor.u32 $0x8000, s17  }
0x45: {  	s31 =	sand.u32 $0x1, s15;
	v4 =	vld [tilespmem:s18+$0x0];
	s20 =	sadd.s32 $0x0, s19  }
0x46: {  	v3 =	vld [tilespmem:s18+$0x10];
	s17 =	smul.u32 $0x10200, s31;
	[tilespmem:s20+$0x3870 ss:$0x81] =	vst.msk $0xffff, v0  }
0x47: {  	v2 =	vld [tilespmem:s18+$0x20];
	[tilespmem:s20+$0x810 ss:$0x81] =	vst.msk $0xffff, v1  }
0x48: {  	s17 =	sshrl.u32 s17, $0x2;
	v0 =	vld [tilespmem:s18+$0xFFFFFFC0];
	[tilespmem:s20+$0x1020 ss:$0x81] =	vst.msk $0xffff, v5;
	s18 =	sadd.s32 $0x80, s18  }
0x49: {  	s21 =	simm.s32 $0x4;
	s22 =	simm.s32 $0x8;
	s17 =	sor.u32 $0x8000, s17;
	[tilespmem:s20+$0x1830 ss:$0x81] =	vst.msk $0xffff, v6;
	v1 =	vld [tilespmem:s18+$0x30]  }
.LBB1_3:
0x4a: {  	p1 =	sne.s32 s22, $0x1FC;
	v5 =	vld [tilespmem:s18+$0xFFFFFFD0];
	[tilespmem:s20+$0x2040 ss:$0x81] =	vst.msk $0xffff, v4  }
0x4b: {  	v6 =	vld [tilespmem:s18+$0xFFFFFFE0];
	[tilespmem:s20+$0x2850 ss:$0x81] =	vst.msk $0xffff, v3  }
0x4c: {  	s23 =	sshra.s32 s21, $0x2;
	s21 =	smov.u32 s22;
	v7 =	vld [tilespmem:s18+$0xFFFFFFF0];
	[tilespmem:s20+$0x3060 ss:$0x81] =	vst.msk $0xffff, v2  }
.Ltmp3:
0x4d: {  	v4 =	vld [tilespmem:s18+$0x0];
	[tilespmem:s20+$0x0 ss:$0x81] =	vst.msk $0xffff, v0;
	s20 =	sadd.s32 s23, s19;
	(pc) =	sbr.rel @p1 .LBB1_3-.Ltmp3, $4  }
0x4e: {  	v3 =	vld [tilespmem:s18+$0x10];
	[tilespmem:s20+$0x3870 ss:$0x81] =	vst.msk $0xffff, v1  }
0x4f: {  	[tilespmem:s20+$0x810 ss:$0x81] =	vst.msk $0xffff, v5;
	v2 =	vld [tilespmem:s18+$0x20]  }
0x50: {  	v0 =	vld [tilespmem:s18+$0xFFFFFFC0];
	[tilespmem:s20+$0x1020 ss:$0x81] =	vst.msk $0xffff, v6;
	s18 =	sadd.s32 $0x80, s18  }
0x51: {  	s22 =	sadd.s32 $0x4, s22;
	v1 =	vld [tilespmem:s18+$0x30];
	[tilespmem:s20+$0x1830 ss:$0x81] =	vst.msk $0xffff, v7  }
.Ltmp4:
0x52: {  	_ = 	snop;
	(pc) =	sbr.rel .LBB1_4-.Ltmp4, $1  }
0x53: {  	_ =	sdelay $0x3  }
.LBB1_6:
0x54: {  	_ =	sfence.sel $0x180000  }
0x55: {  	s2 =	simm.s32 $0x1;
	[bflag:$0x0] =	sbarrier.arrive $0xFFFF  }
0x56: {  	s31 =	simm.s32 $0x2;
	[sflag:s2] =	ssyncpa.u1 $0x1  }
0x57: {  	[sflag:s31] =	ssyncpa.u1 $0x1  }
0x58: {  	p0 =	sne.s32 s1, $0x0;
	_ =	strace $0x9000004A  }
0x59: {  	s0 =	sadd.s32 @!p0 $0x100000, s0;
	[bflag:$0x2] =	sbarrier.arrive $0xFFFF  }
0x5a: {  	[sflag:s0] =	ssyncadd.tile.s32 @!p0 $0x1;
	_ =	shalt  }
.Lfunc_end1:
_tile_overlayer_lowered:
.L_overlay_start_2:
0x5b: {  	(tag) =	ssettag $0x2  }
0x5c: {  	s0 =	rddreg [dreg:$0x0];
	s2 =	stileid.u32  }
0x5d: {  	s1 =	rddreg [dreg:$0x1];
	p0 =	sne.s32 s2, $0x0  }
0x5e: {  	s3 =	rddreg [dreg:$0x2];
	[bflag:$0x3] =	sbarrier.arrive $0xFFFF;
	s2 =	simm.s32 @!p0 $0x1C01  }
0x5f: {  	[timem:s3], [sflag:s2] =	dma.local @!p0 [hbm:s0], s1  }
0x60: {  	s0 =	simm.s32 @!p0 $0x1  }
0x61: {  	_ =	swait.ge @!p0 [sflag:s0], s1  }
0x62: {  	s1 =	ssub.s32 @!p0 $0x0, s1;
	[sflag:s0] =	ssyncset.done @!p0 $0x0  }
0x63: {  	[sflag:s0] =	ssyncadd.s32 @!p0 s1  }
0x64: {  	[bflag:$0x3] =	sbarrier.arrive $0xFFFF  }
0x65: {  	_ =	shalt  }

</sc_bundles>
